<compile_context>
chip_gen: v7x
topology: tpu7x:2x2x1
jax: 0.10.2.dev20260603
libtpu: 0.0.44.dev20260713+nightly
codegen_flags: <defaults>
</compile_context>

<pallas_src>
import functools
import math

import jax
import jax.numpy as jnp
from jax import lax
from jax.experimental import pallas as pl
from jax.experimental.pallas import tpu as pltpu
from jax.experimental.pallas import tpu_sc as plsc

EMB_D = 32
CH = 64
N_WORKERS = 32


def _make_sc_gather(B):
    bpw = B // N_WORKERS
    nch = bpw // CH
    mesh = plsc.VectorSubcoreMesh(core_axis_name="c", subcore_axis_name="s")

    @functools.partial(
        pl.kernel,
        mesh=mesh,
        compiler_params=pltpu.CompilerParams(use_tc_tiling_on_sc=False),
        out_type=[
            jax.ShapeDtypeStruct((B, EMB_D), jnp.float32),
            jax.ShapeDtypeStruct((B, EMB_D), jnp.float32),
        ],
        scratch_types=[
            pltpu.VMEM((CH,), jnp.int32),
            pltpu.VMEM((CH,), jnp.int32),
            pltpu.VMEM((CH, 4 * EMB_D), jnp.float32),
            pltpu.VMEM((CH, EMB_D), jnp.float32),
            pltpu.SemaphoreType.DMA,
        ],
    )
    def gk(tbl_i, tbl_u, idx_i, idx_u, out_i, out_u,
           idx_v, sidx_v, slab_v, row_v, sem):
        nc = 2
        wid = lax.axis_index("s") * nc + lax.axis_index("c")
        lane = lax.iota(jnp.int32, 16)

        def chunk(c, carry):
            base = wid * bpw + c * CH
            for tbl, idxh, outh in ((tbl_i, idx_i, out_i),
                                    (tbl_u, idx_u, out_u)):
                pltpu.sync_copy(idxh.at[pl.ds(base, CH)], idx_v)
                for g in range(CH // 16):
                    iv = idx_v[pl.ds(16 * g, 16)]
                    sidx_v[pl.ds(16 * g, 16)] = lax.shift_right_logical(iv, 2)
                pltpu.async_copy(tbl.at[sidx_v], slab_v, sem).wait()
                pltpu.sync_copy(slab_v.at[pl.ds(0, CH), pl.ds(0, EMB_D)],
                                outh.at[pl.ds(base, CH)])
            return carry

        lax.fori_loop(0, nch, chunk, 0)

    return gk


_BN_C = 1.0 / math.sqrt(1.0 + 1e-5)


def _onehot_lookup(col, table_ref, n):
    iota = lax.broadcasted_iota(jnp.int32, (1, n), 1)
    oneh = jnp.where(col.astype(jnp.int32) == iota, 1.0, 0.0)
    return jnp.dot(oneh, table_ref[...], preferred_element_type=jnp.float32)


def _tc_body(emb_i, emb_u, it3, us3, ohi, ohu, dense,
             ci0, ci1, ci2, cu0, cu1, cu2,
             w2io, w2uo, w1io, w1uo, wd, bd,
             wdl, bdl, w0, s0, t0, w1m, s1, t1, w2t, out):
    it3v = it3[...]
    us3v = us3[...]
    li = [_onehot_lookup(it3v[:, i:i + 1], t, 1000)
          for i, t in enumerate((ci0, ci1, ci2))]
    lu = [_onehot_lookup(us3v[:, i:i + 1], t, 100)
          for i, t in enumerate((cu0, cu1, cu2))]

    oh_i = ohi[...]
    oh_u = ohu[...]
    dn = dense[...]
    e_ohi = jnp.dot(oh_i, w2io[...], preferred_element_type=jnp.float32)
    e_ohu = jnp.dot(oh_u, w2uo[...], preferred_element_type=jnp.float32)
    parts = [li[0][:, :EMB_D], li[1][:, :EMB_D], li[2][:, :EMB_D], e_ohi,
             lu[0][:, :EMB_D], lu[1][:, :EMB_D], lu[2][:, :EMB_D], e_ohu,
             emb_i[...], emb_u[...]]

    s = parts[0]
    sq = parts[0] * parts[0]
    for p_ in parts[1:]:
        s = s + p_
        sq = sq + p_ * p_
    fm2 = 0.5 * jnp.sum(s * s - sq, axis=1, keepdims=True)

    w1sum = li[0][:, EMB_D:EMB_D + 1]
    for x in (li[1], li[2], lu[0], lu[1], lu[2]):
        w1sum = w1sum + x[:, EMB_D:EMB_D + 1]
    fm1 = (w1sum
           + jnp.sum(oh_i * w1io[...], axis=1, keepdims=True)
           + jnp.sum(oh_u * w1uo[...], axis=1, keepdims=True)
           + jnp.sum(dn * wd[...], axis=1, keepdims=True)
           + bd[...])

    r = jnp.maximum(jnp.dot(dn, wdl[...], preferred_element_type=jnp.float32)
                    + bdl[...], 0.0)
    w0v = w0[...]
    acc = jnp.dot(r, w0v, preferred_element_type=jnp.float32)
    for t in range(10):
        acc = acc + jnp.dot(parts[t], w0v[t * EMB_D:(t + 1) * EMB_D, :],
                            preferred_element_type=jnp.float32)
    h0 = jnp.maximum(acc * s0[...] + t0[...], 0.0)
    h1 = jnp.maximum(jnp.dot(h0, w1m[...], preferred_element_type=jnp.float32)
                     * s1[...] + t1[...], 0.0)
    dnn_out = jnp.sum(h1 * w2t[...], axis=1, keepdims=True)
    out[...] = fm1 + fm2 + dnn_out


def _tc_call(B, BL, emb_i, emb_u, it3, us3, ohi, ohu, dense, wts):
    grid = B // BL

    def bmap(i):
        return (i, 0)

    def cmap(i):
        return (0, 0)

    in_specs = [
        pl.BlockSpec((BL, EMB_D), bmap),
        pl.BlockSpec((BL, EMB_D), bmap),
        pl.BlockSpec((BL, 3), bmap),
        pl.BlockSpec((BL, 3), bmap),
        pl.BlockSpec((BL, 10), bmap),
        pl.BlockSpec((BL, 10), bmap),
        pl.BlockSpec((BL, 5), bmap),
    ] + [pl.BlockSpec(w.shape, cmap) for w in wts]

    return pl.pallas_call(
        _tc_body,
        grid=(grid,),
        in_specs=in_specs,
        out_specs=pl.BlockSpec((BL, 1), bmap),
        out_shape=jax.ShapeDtypeStruct((B, 1), jnp.float32),
        compiler_params=pltpu.CompilerParams(
            dimension_semantics=("arbitrary",)),
    )(emb_i, emb_u, it3, us3, ohi, ohu, dense, *wts)


def kernel(user_id, target_item_id, history_item_id, history_len,
           user_features, item_features, params):
    p = params
    B = user_features.shape[0]
    itf = item_features
    usf = user_features

    idx_i = target_item_id.reshape(-1).astype(jnp.int32)
    idx_u = user_id.reshape(-1).astype(jnp.int32)
    tbl_i = p["item_id_table"].reshape(-1, 4 * EMB_D)
    tbl_u = p["user_id_table"].reshape(-1, 4 * EMB_D)

    gather = _make_sc_gather(B)
    emb_i, emb_u = gather(tbl_i, tbl_u, idx_i, idx_u)

    ci = [jnp.concatenate([p[f"w2_item_{c}"][:1000], p[f"w1_item_{c}"][:1000]],
                          axis=1) for c in range(3)]
    cu = [jnp.concatenate([p[f"w2_user_{c}"][:100], p[f"w1_user_{c}"][:100]],
                          axis=1) for c in range(3)]

    it3 = itf[:, 2:5]
    us3 = usf[:, 3:6]
    ohi = itf[:, 5:15]
    ohu = usf[:, 6:16]
    dense = jnp.stack([itf[:, 0], itf[:, 1],
                       usf[:, 0], usf[:, 1], usf[:, 2]], axis=1)

    s0 = (p["g0"] * _BN_C).reshape(1, -1)
    t0 = (p["b0"] * s0[0] + p["be0"]).reshape(1, -1)
    s1 = (p["g1"] * _BN_C).reshape(1, -1)
    t1 = (p["b1"] * s1[0] + p["be1"]).reshape(1, -1)
    wts = ci + cu + [
        p["w2_item_oh"][1:], p["w2_user_oh"][1:],
        p["w1_item_oh"][1:].reshape(1, 10), p["w1_user_oh"][1:].reshape(1, 10),
        p["Wd"].reshape(1, 5), p["bd"].reshape(1, 1),
        p["Wdl"], p["bdl"].reshape(1, -1),
        p["W0"], s0, t0,
        p["W1"], s1, t1,
        p["W2"].reshape(1, -1),
    ]

    return _tc_call(B, 1024, emb_i, emb_u, it3, us3, ohi, ohu, dense, wts)

# --- scband reference (transcript-rebuilt; emitter-appended) ---
"""Pipeline reference for scband-deep-fm-36739150250466 (READ-ONLY COPY).

The authoritative reference and input builder live on the scoring server;
editing this copy changes nothing except your own understanding.
"""

import jax, jax.numpy as jnp
import numpy as np

EMBED_DIM = 32


def _bn(x, g, b, eps=1e-5):
    # eval-mode batchnorm with running_mean=0, running_var=1
    return x / jnp.sqrt(1.0 + eps) * g + b


def setup_inputs(seed: int = 0) -> dict:
    key = jax.random.key(seed)
    ks = jax.random.split(key, 32)
    B = 16384
    d = EMBED_DIM
    user_id = jax.random.randint(ks[0], (B, 1), 0, 1000000)
    target_item_id = jax.random.randint(ks[1], (B, 1), 0, 1000000)
    history_item_id = jax.random.randint(ks[2], (B, 50), 0, 1000000)
    history_len = jax.random.randint(ks[3], (B,), 0, 50)
    user_features = jax.random.randint(ks[4], (B, 16), 0, 100).astype(jnp.float32)
    item_features = jax.random.randint(ks[5], (B, 15), 0, 1000).astype(jnp.float32)

    def n(k, shape, s=0.05):
        return jax.random.normal(k, shape, dtype=jnp.float32) * s

    params = {
        "item_id_table": n(ks[6], (1000000, d)),
        "user_id_table": n(ks[7], (1000000, d)),
        "w1_item_0": n(ks[8], (100000, 1)),
        "w1_item_1": n(ks[9], (100000, 1)),
        "w1_item_2": n(ks[10], (1000, 1)),
        "w1_item_oh": n(ks[11], (11, 1)),
        "w1_user_0": n(ks[12], (100000, 1)),
        "w1_user_1": n(ks[13], (1000, 1)),
        "w1_user_2": n(ks[14], (100, 1)),
        "w1_user_oh": n(ks[15], (11, 1)),
        "w2_item_0": n(ks[16], (100000, d)),
        "w2_item_1": n(ks[17], (100000, d)),
        "w2_item_2": n(ks[18], (1000, d)),
        "w2_item_oh": n(ks[19], (11, d)),
        "w2_user_0": n(ks[20], (100000, d)),
        "w2_user_1": n(ks[21], (1000, d)),
        "w2_user_2": n(ks[22], (100, d)),
        "w2_user_oh": n(ks[23], (11, d)),
        "Wd": n(ks[24], (5, 1)), "bd": jnp.zeros((1,), jnp.float32),
        "Wdl": n(ks[25], (5, 10 * d)), "bdl": jnp.zeros((10 * d,), jnp.float32),
        "W0": n(ks[26], (10 * d, 256)), "b0": jnp.zeros((256,), jnp.float32),
        "g0": jnp.ones((256,), jnp.float32), "be0": jnp.zeros((256,), jnp.float32),
        "W1": n(ks[27], (256, 128)), "b1": jnp.zeros((128,), jnp.float32),
        "g1": jnp.ones((128,), jnp.float32), "be1": jnp.zeros((128,), jnp.float32),
        "W2": n(ks[28], (128, 1)),
    }
    return {"user_id": user_id, "target_item_id": target_item_id,
            "history_item_id": history_item_id, "history_len": history_len,
            "user_features": user_features, "item_features": item_features,
            "params": params}


def _forward(user_features, item_features, params, user_id, target_item_id):
    p = params
    B = user_features.shape[0]
    item_emb = p["item_id_table"][target_item_id.reshape(-1)]
    user_emb = p["user_id_table"][user_id.reshape(-1)]
    it_idx = [item_features[:, c].astype(jnp.int32) for c in (2, 3, 4)]
    us_idx = [user_features[:, c].astype(jnp.int32) for c in (3, 4, 5)]
    oh_item = jnp.concatenate([jnp.zeros((B, 1), jnp.float32), item_features[:, 5:15]], axis=1)
    oh_user = jnp.concatenate([jnp.zeros((B, 1), jnp.float32), user_features[:, 6:16]], axis=1)
    fm1 = [p["w1_item_0"][it_idx[0]], p["w1_item_1"][it_idx[1]], p["w1_item_2"][it_idx[2]],
           oh_item @ p["w1_item_oh"],
           p["w1_user_0"][us_idx[0]], p["w1_user_1"][us_idx[1]], p["w1_user_2"][us_idx[2]],
           oh_user @ p["w1_user_oh"]]
    fm_1st_sparse = jnp.sum(jnp.concatenate(fm1, axis=1), axis=1, keepdims=True)
    dense = jnp.stack([item_features[:, 0], item_features[:, 1],
                       user_features[:, 0], user_features[:, 1], user_features[:, 2]], axis=1)
    fm_1st = fm_1st_sparse + dense @ p["Wd"] + p["bd"]
    fm2 = [p["w2_item_0"][it_idx[0]], p["w2_item_1"][it_idx[1]], p["w2_item_2"][it_idx[2]],
           oh_item @ p["w2_item_oh"],
           p["w2_user_0"][us_idx[0]], p["w2_user_1"][us_idx[1]], p["w2_user_2"][us_idx[2]],
           oh_user @ p["w2_user_oh"], item_emb, user_emb]
    E = jnp.stack(fm2, axis=1)  # [B, 10, d]
    s = jnp.sum(E, axis=1)
    fm_2nd = 0.5 * jnp.sum(s * s - jnp.sum(E * E, axis=1), axis=1, keepdims=True)
    dnn = E.reshape(B, -1) + jax.nn.relu(dense @ p["Wdl"] + p["bdl"])
    h = jax.nn.relu(_bn(dnn @ p["W0"] + p["b0"], p["g0"], p["be0"]))
    h = jax.nn.relu(_bn(h @ p["W1"] + p["b1"], p["g1"], p["be1"]))
    dnn_out = h @ p["W2"]
    return fm_1st + fm_2nd + dnn_out


def reference(user_id, target_item_id, history_item_id, history_len, user_features, item_features, params):
    return _forward(user_features, item_features, params, user_id, target_item_id)

if __name__ == "__main__":
    import jax
    _d = setup_inputs()
    print(jax.jit(kernel)(*tuple(_d.values())))

</pallas_src>

<mosaic_0001>
#map = affine_map<(d0, d1) -> (0, 0)>
#map1 = affine_map<(d0, d1) -> (0)>
module attributes {stable_mosaic.version = 14 : i64} {
  func.func @gk(%arg0: i32, %arg1: i32, %arg2: memref<250000x128xf32, #tpu.memory_space<hbm>>, %arg3: memref<250000x128xf32, #tpu.memory_space<hbm>>, %arg4: memref<16384xi32, #tpu.memory_space<hbm>>, %arg5: memref<16384xi32, #tpu.memory_space<hbm>>, %arg6: memref<16384x32xf32, #tpu.memory_space<hbm>>, %arg7: memref<16384x32xf32, #tpu.memory_space<hbm>>, %arg8: memref<64xi32, #tpu.memory_space<vmem>>, %arg9: memref<64xi32, #tpu.memory_space<vmem>>, %arg10: memref<64x128xf32, #tpu.memory_space<vmem>>, %arg11: memref<64x32xf32, #tpu.memory_space<vmem>>, %arg12: memref<!tpu.dma_semaphore, #tpu.memory_space<semaphore_mem>>) attributes {dimension_semantics = [#tpu.dimension_semantics<core_parallel>, #tpu.dimension_semantics<subcore_parallel>], iteration_bounds = array<i64: 2, 16>, scalar_prefetch = 0 : i64, scratch_operands = 5 : i64, tpu.core_type = #tpu.core_type<sc_vector_subcore>, window_params = [{transform_indices = #map}, {transform_indices = #map}, {transform_indices = #map1}, {transform_indices = #map1}, {transform_indices = #map}, {transform_indices = #map}]} {
    %mul3A = arith.constant 2 : i32
    %mul3A_0 = arith.muli %arg1, %mul3A : i32
    %add3A = arith.addi %mul3A_0, %arg0 : i32
    %iota3A = tpu.iota {dimensions = array<i32: 0>} : vector<16xi32>
    %scan3A = arith.constant 0 : i32
    %scan3A_1 = arith.constant 0 : i32
    %scan3A_2 = arith.constant 8 : i32
    %scan3A_3 = arith.addi %scan3A_1, %scan3A_2 : i32
    %scan3A_4 = arith.constant 1 : i32
    scf.for %scan3A_6 = %scan3A_1 to %scan3A_3 step %scan3A_4  : i32 {
      %mul3A_7 = arith.constant 512 : i32
      %mul3A_8 = arith.muli %add3A, %mul3A_7 : i32
      %mul3A_9 = arith.constant 64 : i32
      %mul3A_10 = arith.muli %scan3A_6, %mul3A_9 : i32
      %add3A_11 = arith.addi %mul3A_8, %mul3A_10 : i32
      "tpu.region"() ({
        %run_scoped3A = tpu.sem_alloc : memref<!tpu.dma_semaphore, #tpu.memory_space<semaphore_mem>>
        %dma_start3A_99 = tpu.memref_slice %arg4[%add3A_11] : memref<16384xi32, #tpu.memory_space<hbm>> -> memref<64xi32, #tpu.memory_space<hbm>>
        %dma_start3A_100 = tpu.memref_slice %arg4[%add3A_11] : memref<16384xi32, #tpu.memory_space<hbm>> -> memref<64xi32, #tpu.memory_space<hbm>>
        tpu.enqueue_dma source(%dma_start3A_100 : memref<64xi32, #tpu.memory_space<hbm>>) target(%arg8 : memref<64xi32, #tpu.memory_space<vmem>>) target_semaphore(%run_scoped3A : memref<!tpu.dma_semaphore, #tpu.memory_space<semaphore_mem>>)
        %dma_wait3A_101 = tpu.memref_slice %arg4[%add3A_11] : memref<16384xi32, #tpu.memory_space<hbm>> -> memref<64xi32, #tpu.memory_space<hbm>>
        %dma_wait3A_102 = tpu.memref_slice %arg4[%add3A_11] : memref<16384xi32, #tpu.memory_space<hbm>> -> memref<64xi32, #tpu.memory_space<hbm>>
        tpu.wait_dma2 semaphore(%run_scoped3A : memref<!tpu.dma_semaphore, #tpu.memory_space<semaphore_mem>>) src(%dma_wait3A_102 : memref<64xi32, #tpu.memory_space<hbm>>) dst(%arg8 : memref<64xi32, #tpu.memory_space<vmem>>)
        tpu.yield
      }) : () -> ()
      %get3A = arith.constant 0 : index
      %get3A_12 = tpu.vector_load %arg8[%get3A] {strides = array<i32>} : memref<64xi32, #tpu.memory_space<vmem>>, vector<16xi32>,
      %get3A_13 = vector.shape_cast %get3A_12 : vector<16xi32> to vector<16xi32>
      %shift_right_logical3A = arith.constant 2 : i32
      %shift_right_logical3A_14 = vector.broadcast %shift_right_logical3A : i32 to vector<16xi32>
      %shift_right_logical3A_15 = arith.shrui %get3A_13, %shift_right_logical3A_14 : vector<16xi32>
      %swap3A = arith.constant 0 : index
      %swap3A_16 = tpu.vector_load %arg9[%swap3A] {strides = array<i32>} : memref<64xi32, #tpu.memory_space<vmem>>, vector<16xi32>,
      %swap3A_17 = vector.shape_cast %swap3A_16 : vector<16xi32> to vector<16xi32>
      %swap3A_18 = vector.shape_cast %shift_right_logical3A_15 : vector<16xi32> to vector<16xi32>
      tpu.vector_store %arg9[%swap3A], %swap3A_18 {strides = array<i32>} : memref<64xi32, #tpu.memory_space<vmem>>, vector<16xi32>,
      %get3A_19 = arith.constant 16 : index
      %get3A_20 = tpu.vector_load %arg8[%get3A_19] {strides = array<i32>} : memref<64xi32, #tpu.memory_space<vmem>>, vector<16xi32>,
      %get3A_21 = vector.shape_cast %get3A_20 : vector<16xi32> to vector<16xi32>
      %shift_right_logical3A_22 = arith.constant 2 : i32
      %shift_right_logical3A_23 = vector.broadcast %shift_right_logical3A_22 : i32 to vector<16xi32>
      %shift_right_logical3A_24 = arith.shrui %get3A_21, %shift_right_logical3A_23 : vector<16xi32>
      %swap3A_25 = arith.constant 16 : index
      %swap3A_26 = tpu.vector_load %arg9[%swap3A_25] {strides = array<i32>} : memref<64xi32, #tpu.memory_space<vmem>>, vector<16xi32>,
      %swap3A_27 = vector.shape_cast %swap3A_26 : vector<16xi32> to vector<16xi32>
      %swap3A_28 = vector.shape_cast %shift_right_logical3A_24 : vector<16xi32> to vector<16xi32>
      tpu.vector_store %arg9[%swap3A_25], %swap3A_28 {strides = array<i32>} : memref<64xi32, #tpu.memory_space<vmem>>, vector<16xi32>,
      %get3A_29 = arith.constant 32 : index
      %get3A_30 = tpu.vector_load %arg8[%get3A_29] {strides = array<i32>} : memref<64xi32, #tpu.memory_space<vmem>>, vector<16xi32>,
      %get3A_31 = vector.shape_cast %get3A_30 : vector<16xi32> to vector<16xi32>
      %shift_right_logical3A_32 = arith.constant 2 : i32
      %shift_right_logical3A_33 = vector.broadcast %shift_right_logical3A_32 : i32 to vector<16xi32>
      %shift_right_logical3A_34 = arith.shrui %get3A_31, %shift_right_logical3A_33 : vector<16xi32>
      %swap3A_35 = arith.constant 32 : index
      %swap3A_36 = tpu.vector_load %arg9[%swap3A_35] {strides = array<i32>} : memref<64xi32, #tpu.memory_space<vmem>>, vector<16xi32>,
      %swap3A_37 = vector.shape_cast %swap3A_36 : vector<16xi32> to vector<16xi32>
      %swap3A_38 = vector.shape_cast %shift_right_logical3A_34 : vector<16xi32> to vector<16xi32>
      tpu.vector_store %arg9[%swap3A_35], %swap3A_38 {strides = array<i32>} : memref<64xi32, #tpu.memory_space<vmem>>, vector<16xi32>,
      %get3A_39 = arith.constant 48 : index
      %get3A_40 = tpu.vector_load %arg8[%get3A_39] {strides = array<i32>} : memref<64xi32, #tpu.memory_space<vmem>>, vector<16xi32>,
      %get3A_41 = vector.shape_cast %get3A_40 : vector<16xi32> to vector<16xi32>
      %shift_right_logical3A_42 = arith.constant 2 : i32
      %shift_right_logical3A_43 = vector.broadcast %shift_right_logical3A_42 : i32 to vector<16xi32>
      %shift_right_logical3A_44 = arith.shrui %get3A_41, %shift_right_logical3A_43 : vector<16xi32>
      %swap3A_45 = arith.constant 48 : index
      %swap3A_46 = tpu.vector_load %arg9[%swap3A_45] {strides = array<i32>} : memref<64xi32, #tpu.memory_space<vmem>>, vector<16xi32>,
      %swap3A_47 = vector.shape_cast %swap3A_46 : vector<16xi32> to vector<16xi32>
      %swap3A_48 = vector.shape_cast %shift_right_logical3A_44 : vector<16xi32> to vector<16xi32>
      tpu.vector_store %arg9[%swap3A_45], %swap3A_48 {strides = array<i32>} : memref<64xi32, #tpu.memory_space<vmem>>, vector<16xi32>,
      %dma_start3A = arith.constant 0 : i32
      %dma_start3A_49 = arith.constant 0 : i32
      %dma_start3A_50 = tpu.memref_slice %arg2[%dma_start3A, %dma_start3A_49] : memref<250000x128xf32, #tpu.memory_space<hbm>> -> memref<250000x128xf32, #tpu.memory_space<hbm>>
      tpu.enqueue_indirect_dma source(%dma_start3A_50 : memref<250000x128xf32, #tpu.memory_space<hbm>>) target(%arg10 : memref<64x128xf32, #tpu.memory_space<vmem>>) offsets(%arg9 : memref<64xi32, #tpu.memory_space<vmem>>) semaphore(%arg12 : memref<!tpu.dma_semaphore, #tpu.memory_space<semaphore_mem>>)
      %dma_wait3A = arith.constant 0 : i32
      %dma_wait3A_51 = arith.constant 0 : i32
      %dma_wait3A_52 = tpu.memref_slice %arg2[%dma_wait3A, %dma_wait3A_51] : memref<250000x128xf32, #tpu.memory_space<hbm>> -> memref<250000x128xf32, #tpu.memory_space<hbm>>
      tpu.wait_indirect_dma semaphore(%arg12 : memref<!tpu.dma_semaphore, #tpu.memory_space<semaphore_mem>>) src(%dma_wait3A_52 : memref<250000x128xf32, #tpu.memory_space<hbm>>) dst(%arg10 : memref<64x128xf32, #tpu.memory_space<vmem>>)
      "tpu.region"() ({
        %run_scoped3A = tpu.sem_alloc : memref<!tpu.dma_semaphore, #tpu.memory_space<semaphore_mem>>
        %dma_start3A_99 = arith.constant 0 : i32
        %dma_start3A_100 = arith.constant 0 : i32
        %dma_start3A_101 = tpu.memref_slice %arg10[%dma_start3A_99, %dma_start3A_100] : memref<64x128xf32, #tpu.memory_space<vmem>> -> memref<64x32xf32, #tpu.memory_space<vmem>>
        %dma_start3A_102 = arith.constant 0 : i32
        %dma_start3A_103 = tpu.memref_slice %arg6[%add3A_11, %dma_start3A_102] : memref<16384x32xf32, #tpu.memory_space<hbm>> -> memref<64x32xf32, #tpu.memory_space<hbm>>
        %dma_start3A_104 = arith.constant 0 : i32
        %dma_start3A_105 = tpu.memref_slice %arg6[%add3A_11, %dma_start3A_104] : memref<16384x32xf32, #tpu.memory_space<hbm>> -> memref<64x32xf32, #tpu.memory_space<hbm>>
        %dma_start3A_106 = arith.constant 0 : i32
        %dma_start3A_107 = arith.constant 0 : i32
        %dma_start3A_108 = tpu.memref_slice %arg10[%dma_start3A_106, %dma_start3A_107] : memref<64x128xf32, #tpu.memory_space<vmem>> -> memref<64x32xf32, #tpu.memory_space<vmem>>
        tpu.enqueue_dma source(%dma_start3A_108 : memref<64x32xf32, #tpu.memory_space<vmem>>) target(%dma_start3A_105 : memref<64x32xf32, #tpu.memory_space<hbm>>) target_semaphore(%run_scoped3A : memref<!tpu.dma_semaphore, #tpu.memory_space<semaphore_mem>>)
        %dma_wait3A_109 = arith.constant 0 : i32
        %dma_wait3A_110 = arith.constant 0 : i32
        %dma_wait3A_111 = tpu.memref_slice %arg10[%dma_wait3A_109, %dma_wait3A_110] : memref<64x128xf32, #tpu.memory_space<vmem>> -> memref<64x32xf32, #tpu.memory_space<vmem>>
        %dma_wait3A_112 = arith.constant 0 : i32
        %dma_wait3A_113 = tpu.memref_slice %arg6[%add3A_11, %dma_wait3A_112] : memref<16384x32xf32, #tpu.memory_space<hbm>> -> memref<64x32xf32, #tpu.memory_space<hbm>>
        %dma_wait3A_114 = arith.constant 0 : i32
        %dma_wait3A_115 = tpu.memref_slice %arg6[%add3A_11, %dma_wait3A_114] : memref<16384x32xf32, #tpu.memory_space<hbm>> -> memref<64x32xf32, #tpu.memory_space<hbm>>
        %dma_wait3A_116 = arith.constant 0 : i32
        %dma_wait3A_117 = arith.constant 0 : i32
        %dma_wait3A_118 = tpu.memref_slice %arg10[%dma_wait3A_116, %dma_wait3A_117] : memref<64x128xf32, #tpu.memory_space<vmem>> -> memref<64x32xf32, #tpu.memory_space<vmem>>
        tpu.wait_dma2 semaphore(%run_scoped3A : memref<!tpu.dma_semaphore, #tpu.memory_space<semaphore_mem>>) src(%dma_wait3A_118 : memref<64x32xf32, #tpu.memory_space<vmem>>) dst(%dma_wait3A_115 : memref<64x32xf32, #tpu.memory_space<hbm>>)
        tpu.yield
      }) : () -> ()
      "tpu.region"() ({
        %run_scoped3A = tpu.sem_alloc : memref<!tpu.dma_semaphore, #tpu.memory_space<semaphore_mem>>
        %dma_start3A_99 = tpu.memref_slice %arg5[%add3A_11] : memref<16384xi32, #tpu.memory_space<hbm>> -> memref<64xi32, #tpu.memory_space<hbm>>
        %dma_start3A_100 = tpu.memref_slice %arg5[%add3A_11] : memref<16384xi32, #tpu.memory_space<hbm>> -> memref<64xi32, #tpu.memory_space<hbm>>
        tpu.enqueue_dma source(%dma_start3A_100 : memref<64xi32, #tpu.memory_space<hbm>>) target(%arg8 : memref<64xi32, #tpu.memory_space<vmem>>) target_semaphore(%run_scoped3A : memref<!tpu.dma_semaphore, #tpu.memory_space<semaphore_mem>>)
        %dma_wait3A_101 = tpu.memref_slice %arg5[%add3A_11] : memref<16384xi32, #tpu.memory_space<hbm>> -> memref<64xi32, #tpu.memory_space<hbm>>
        %dma_wait3A_102 = tpu.memref_slice %arg5[%add3A_11] : memref<16384xi32, #tpu.memory_space<hbm>> -> memref<64xi32, #tpu.memory_space<hbm>>
        tpu.wait_dma2 semaphore(%run_scoped3A : memref<!tpu.dma_semaphore, #tpu.memory_space<semaphore_mem>>) src(%dma_wait3A_102 : memref<64xi32, #tpu.memory_space<hbm>>) dst(%arg8 : memref<64xi32, #tpu.memory_space<vmem>>)
        tpu.yield
      }) : () -> ()
      %get3A_53 = arith.constant 0 : index
      %get3A_54 = tpu.vector_load %arg8[%get3A_53] {strides = array<i32>} : memref<64xi32, #tpu.memory_space<vmem>>, vector<16xi32>,
      %get3A_55 = vector.shape_cast %get3A_54 : vector<16xi32> to vector<16xi32>
      %shift_right_logical3A_56 = arith.constant 2 : i32
      %shift_right_logical3A_57 = vector.broadcast %shift_right_logical3A_56 : i32 to vector<16xi32>
      %shift_right_logical3A_58 = arith.shrui %get3A_55, %shift_right_logical3A_57 : vector<16xi32>
      %swap3A_59 = arith.constant 0 : index
      %swap3A_60 = tpu.vector_load %arg9[%swap3A_59] {strides = array<i32>} : memref<64xi32, #tpu.memory_space<vmem>>, vector<16xi32>,
      %swap3A_61 = vector.shape_cast %swap3A_60 : vector<16xi32> to vector<16xi32>
      %swap3A_62 = vector.shape_cast %shift_right_logical3A_58 : vector<16xi32> to vector<16xi32>
      tpu.vector_store %arg9[%swap3A_59], %swap3A_62 {strides = array<i32>} : memref<64xi32, #tpu.memory_space<vmem>>, vector<16xi32>,
      %get3A_63 = arith.constant 16 : index
      %get3A_64 = tpu.vector_load %arg8[%get3A_63] {strides = array<i32>} : memref<64xi32, #tpu.memory_space<vmem>>, vector<16xi32>,
      %get3A_65 = vector.shape_cast %get3A_64 : vector<16xi32> to vector<16xi32>
      %shift_right_logical3A_66 = arith.constant 2 : i32
      %shift_right_logical3A_67 = vector.broadcast %shift_right_logical3A_66 : i32 to vector<16xi32>
      %shift_right_logical3A_68 = arith.shrui %get3A_65, %shift_right_logical3A_67 : vector<16xi32>
      %swap3A_69 = arith.constant 16 : index
      %swap3A_70 = tpu.vector_load %arg9[%swap3A_69] {strides = array<i32>} : memref<64xi32, #tpu.memory_space<vmem>>, vector<16xi32>,
      %swap3A_71 = vector.shape_cast %swap3A_70 : vector<16xi32> to vector<16xi32>
      %swap3A_72 = vector.shape_cast %shift_right_logical3A_68 : vector<16xi32> to vector<16xi32>
      tpu.vector_store %arg9[%swap3A_69], %swap3A_72 {strides = array<i32>} : memref<64xi32, #tpu.memory_space<vmem>>, vector<16xi32>,
      %get3A_73 = arith.constant 32 : index
      %get3A_74 = tpu.vector_load %arg8[%get3A_73] {strides = array<i32>} : memref<64xi32, #tpu.memory_space<vmem>>, vector<16xi32>,
      %get3A_75 = vector.shape_cast %get3A_74 : vector<16xi32> to vector<16xi32>
      %shift_right_logical3A_76 = arith.constant 2 : i32
      %shift_right_logical3A_77 = vector.broadcast %shift_right_logical3A_76 : i32 to vector<16xi32>
      %shift_right_logical3A_78 = arith.shrui %get3A_75, %shift_right_logical3A_77 : vector<16xi32>
      %swap3A_79 = arith.constant 32 : index
      %swap3A_80 = tpu.vector_load %arg9[%swap3A_79] {strides = array<i32>} : memref<64xi32, #tpu.memory_space<vmem>>, vector<16xi32>,
      %swap3A_81 = vector.shape_cast %swap3A_80 : vector<16xi32> to vector<16xi32>
      %swap3A_82 = vector.shape_cast %shift_right_logical3A_78 : vector<16xi32> to vector<16xi32>
      tpu.vector_store %arg9[%swap3A_79], %swap3A_82 {strides = array<i32>} : memref<64xi32, #tpu.memory_space<vmem>>, vector<16xi32>,
      %get3A_83 = arith.constant 48 : index
      %get3A_84 = tpu.vector_load %arg8[%get3A_83] {strides = array<i32>} : memref<64xi32, #tpu.memory_space<vmem>>, vector<16xi32>,
      %get3A_85 = vector.shape_cast %get3A_84 : vector<16xi32> to vector<16xi32>
      %shift_right_logical3A_86 = arith.constant 2 : i32
      %shift_right_logical3A_87 = vector.broadcast %shift_right_logical3A_86 : i32 to vector<16xi32>
      %shift_right_logical3A_88 = arith.shrui %get3A_85, %shift_right_logical3A_87 : vector<16xi32>
      %swap3A_89 = arith.constant 48 : index
      %swap3A_90 = tpu.vector_load %arg9[%swap3A_89] {strides = array<i32>} : memref<64xi32, #tpu.memory_space<vmem>>, vector<16xi32>,
      %swap3A_91 = vector.shape_cast %swap3A_90 : vector<16xi32> to vector<16xi32>
      %swap3A_92 = vector.shape_cast %shift_right_logical3A_88 : vector<16xi32> to vector<16xi32>
      tpu.vector_store %arg9[%swap3A_89], %swap3A_92 {strides = array<i32>} : memref<64xi32, #tpu.memory_space<vmem>>, vector<16xi32>,
      %dma_start3A_93 = arith.constant 0 : i32
      %dma_start3A_94 = arith.constant 0 : i32
      %dma_start3A_95 = tpu.memref_slice %arg3[%dma_start3A_93, %dma_start3A_94] : memref<250000x128xf32, #tpu.memory_space<hbm>> -> memref<250000x128xf32, #tpu.memory_space<hbm>>
      tpu.enqueue_indirect_dma source(%dma_start3A_95 : memref<250000x128xf32, #tpu.memory_space<hbm>>) target(%arg10 : memref<64x128xf32, #tpu.memory_space<vmem>>) offsets(%arg9 : memref<64xi32, #tpu.memory_space<vmem>>) semaphore(%arg12 : memref<!tpu.dma_semaphore, #tpu.memory_space<semaphore_mem>>)
      %dma_wait3A_96 = arith.constant 0 : i32
      %dma_wait3A_97 = arith.constant 0 : i32
      %dma_wait3A_98 = tpu.memref_slice %arg3[%dma_wait3A_96, %dma_wait3A_97] : memref<250000x128xf32, #tpu.memory_space<hbm>> -> memref<250000x128xf32, #tpu.memory_space<hbm>>
      tpu.wait_indirect_dma semaphore(%arg12 : memref<!tpu.dma_semaphore, #tpu.memory_space<semaphore_mem>>) src(%dma_wait3A_98 : memref<250000x128xf32, #tpu.memory_space<hbm>>) dst(%arg10 : memref<64x128xf32, #tpu.memory_space<vmem>>)
      "tpu.region"() ({
        %run_scoped3A = tpu.sem_alloc : memref<!tpu.dma_semaphore, #tpu.memory_space<semaphore_mem>>
        %dma_start3A_99 = arith.constant 0 : i32
        %dma_start3A_100 = arith.constant 0 : i32
        %dma_start3A_101 = tpu.memref_slice %arg10[%dma_start3A_99, %dma_start3A_100] : memref<64x128xf32, #tpu.memory_space<vmem>> -> memref<64x32xf32, #tpu.memory_space<vmem>>
        %dma_start3A_102 = arith.constant 0 : i32
        %dma_start3A_103 = tpu.memref_slice %arg7[%add3A_11, %dma_start3A_102] : memref<16384x32xf32, #tpu.memory_space<hbm>> -> memref<64x32xf32, #tpu.memory_space<hbm>>
        %dma_start3A_104 = arith.constant 0 : i32
        %dma_start3A_105 = tpu.memref_slice %arg7[%add3A_11, %dma_start3A_104] : memref<16384x32xf32, #tpu.memory_space<hbm>> -> memref<64x32xf32, #tpu.memory_space<hbm>>
        %dma_start3A_106 = arith.constant 0 : i32
        %dma_start3A_107 = arith.constant 0 : i32
        %dma_start3A_108 = tpu.memref_slice %arg10[%dma_start3A_106, %dma_start3A_107] : memref<64x128xf32, #tpu.memory_space<vmem>> -> memref<64x32xf32, #tpu.memory_space<vmem>>
        tpu.enqueue_dma source(%dma_start3A_108 : memref<64x32xf32, #tpu.memory_space<vmem>>) target(%dma_start3A_105 : memref<64x32xf32, #tpu.memory_space<hbm>>) target_semaphore(%run_scoped3A : memref<!tpu.dma_semaphore, #tpu.memory_space<semaphore_mem>>)
        %dma_wait3A_109 = arith.constant 0 : i32
        %dma_wait3A_110 = arith.constant 0 : i32
        %dma_wait3A_111 = tpu.memref_slice %arg10[%dma_wait3A_109, %dma_wait3A_110] : memref<64x128xf32, #tpu.memory_space<vmem>> -> memref<64x32xf32, #tpu.memory_space<vmem>>
        %dma_wait3A_112 = arith.constant 0 : i32
        %dma_wait3A_113 = tpu.memref_slice %arg7[%add3A_11, %dma_wait3A_112] : memref<16384x32xf32, #tpu.memory_space<hbm>> -> memref<64x32xf32, #tpu.memory_space<hbm>>
        %dma_wait3A_114 = arith.constant 0 : i32
        %dma_wait3A_115 = tpu.memref_slice %arg7[%add3A_11, %dma_wait3A_114] : memref<16384x32xf32, #tpu.memory_space<hbm>> -> memref<64x32xf32, #tpu.memory_space<hbm>>
        %dma_wait3A_116 = arith.constant 0 : i32
        %dma_wait3A_117 = arith.constant 0 : i32
        %dma_wait3A_118 = tpu.memref_slice %arg10[%dma_wait3A_116, %dma_wait3A_117] : memref<64x128xf32, #tpu.memory_space<vmem>> -> memref<64x32xf32, #tpu.memory_space<vmem>>
        tpu.wait_dma2 semaphore(%run_scoped3A : memref<!tpu.dma_semaphore, #tpu.memory_space<semaphore_mem>>) src(%dma_wait3A_118 : memref<64x32xf32, #tpu.memory_space<vmem>>) dst(%dma_wait3A_115 : memref<64x32xf32, #tpu.memory_space<hbm>>)
        tpu.yield
      }) : () -> ()
    }
    %scan3A_5 = arith.constant 8 : i32
    return
  }
}

module attributes {stable_mosaic.version = 14 : i64} {
  func.func @_tc_body(%arg0: i32, %arg1: memref<1024x32xf32, #tpu.memory_space<vmem>>, %arg2: memref<1024x32xf32, #tpu.memory_space<vmem>>, %arg3: memref<1024x3xf32, #tpu.memory_space<vmem>>, %arg4: memref<1024x3xf32, #tpu.memory_space<vmem>>, %arg5: memref<1024x10xf32, #tpu.memory_space<vmem>>, %arg6: memref<1024x10xf32, #tpu.memory_space<vmem>>, %arg7: memref<1024x5xf32, #tpu.memory_space<vmem>>, %arg8: memref<1000x33xf32, #tpu.memory_space<vmem>>, %arg9: memref<1000x33xf32, #tpu.memory_space<vmem>>, %arg10: memref<1000x33xf32, #tpu.memory_space<vmem>>, %arg11: memref<100x33xf32, #tpu.memory_space<vmem>>, %arg12: memref<100x33xf32, #tpu.memory_space<vmem>>, %arg13: memref<100x33xf32, #tpu.memory_space<vmem>>, %arg14: memref<10x32xf32, #tpu.memory_space<vmem>>, %arg15: memref<10x32xf32, #tpu.memory_space<vmem>>, %arg16: memref<1x10xf32, #tpu.memory_space<vmem>>, %arg17: memref<1x10xf32, #tpu.memory_space<vmem>>, %arg18: memref<1x5xf32, #tpu.memory_space<vmem>>, %arg19: memref<1x1xf32, #tpu.memory_space<vmem>>, %arg20: memref<5x320xf32, #tpu.memory_space<vmem>>, %arg21: memref<1x320xf32, #tpu.memory_space<vmem>>, %arg22: memref<320x256xf32, #tpu.memory_space<vmem>>, %arg23: memref<1x256xf32, #tpu.memory_space<vmem>>, %arg24: memref<1x256xf32, #tpu.memory_space<vmem>>, %arg25: memref<256x128xf32, #tpu.memory_space<vmem>>, %arg26: memref<1x128xf32, #tpu.memory_space<vmem>>, %arg27: memref<1x128xf32, #tpu.memory_space<vmem>>, %arg28: memref<1x128xf32, #tpu.memory_space<vmem>>, %arg29: memref<1024x1xf32, #tpu.memory_space<vmem>>) attributes {dimension_semantics = [#tpu.dimension_semantics<arbitrary>], iteration_bounds = array<i64: 16>, scalar_prefetch = 0 : i64, scratch_operands = 0 : i64, tpu.core_type = #tpu.core_type<tc>, window_params = [{transform_indices = @transform_0, window_bounds = array<i64: 1024, 32>}, {transform_indices = @transform_1, window_bounds = array<i64: 1024, 32>}, {transform_indices = @transform_2, window_bounds = array<i64: 1024, 3>}, {transform_indices = @transform_3, window_bounds = array<i64: 1024, 3>}, {transform_indices = @transform_4, window_bounds = array<i64: 1024, 10>}, {transform_indices = @transform_5, window_bounds = array<i64: 1024, 10>}, {transform_indices = @transform_6, window_bounds = array<i64: 1024, 5>}, {pipeline_mode = #tpu.pipeline_mode<synchronous>, transform_indices = @transform_7, window_bounds = array<i64: 1000, 33>}, {pipeline_mode = #tpu.pipeline_mode<synchronous>, transform_indices = @transform_8, window_bounds = array<i64: 1000, 33>}, {pipeline_mode = #tpu.pipeline_mode<synchronous>, transform_indices = @transform_9, window_bounds = array<i64: 1000, 33>}, {pipeline_mode = #tpu.pipeline_mode<synchronous>, transform_indices = @transform_10, window_bounds = array<i64: 100, 33>}, {pipeline_mode = #tpu.pipeline_mode<synchronous>, transform_indices = @transform_11, window_bounds = array<i64: 100, 33>}, {pipeline_mode = #tpu.pipeline_mode<synchronous>, transform_indices = @transform_12, window_bounds = array<i64: 100, 33>}, {pipeline_mode = #tpu.pipeline_mode<synchronous>, transform_indices = @transform_13, window_bounds = array<i64: 10, 32>}, {pipeline_mode = #tpu.pipeline_mode<synchronous>, transform_indices = @transform_14, window_bounds = array<i64: 10, 32>}, {pipeline_mode = #tpu.pipeline_mode<synchronous>, transform_indices = @transform_15, window_bounds = array<i64: 1, 10>}, {pipeline_mode = #tpu.pipeline_mode<synchronous>, transform_indices = @transform_16, window_bounds = array<i64: 1, 10>}, {pipeline_mode = #tpu.pipeline_mode<synchronous>, transform_indices = @transform_17, window_bounds = array<i64: 1, 5>}, {pipeline_mode = #tpu.pipeline_mode<synchronous>, transform_indices = @transform_18, window_bounds = array<i64: 1, 1>}, {pipeline_mode = #tpu.pipeline_mode<synchronous>, transform_indices = @transform_19, window_bounds = array<i64: 5, 320>}, {pipeline_mode = #tpu.pipeline_mode<synchronous>, transform_indices = @transform_20, window_bounds = array<i64: 1, 320>}, {pipeline_mode = #tpu.pipeline_mode<synchronous>, transform_indices = @transform_21, window_bounds = array<i64: 320, 256>}, {pipeline_mode = #tpu.pipeline_mode<synchronous>, transform_indices = @transform_22, window_bounds = array<i64: 1, 256>}, {pipeline_mode = #tpu.pipeline_mode<synchronous>, transform_indices = @transform_23, window_bounds = array<i64: 1, 256>}, {pipeline_mode = #tpu.pipeline_mode<synchronous>, transform_indices = @transform_24, window_bounds = array<i64: 256, 128>}, {pipeline_mode = #tpu.pipeline_mode<synchronous>, transform_indices = @transform_25, window_bounds = array<i64: 1, 128>}, {pipeline_mode = #tpu.pipeline_mode<synchronous>, transform_indices = @transform_26, window_bounds = array<i64: 1, 128>}, {pipeline_mode = #tpu.pipeline_mode<synchronous>, transform_indices = @transform_27, window_bounds = array<i64: 1, 128>}, {transform_indices = @transform_28, window_bounds = array<i64: 1024, 1>}]} {
    %get3A = arith.constant 0 : index
    %get3A_0 = arith.constant 0 : index
    %get3A_1 = vector.load %arg3[%get3A, %get3A_0] : memref<1024x3xf32, #tpu.memory_space<vmem>>, vector<1024x3xf32>
    %get3A_2 = arith.constant 0 : index
    %get3A_3 = arith.constant 0 : index
    %get3A_4 = vector.load %arg4[%get3A_2, %get3A_3] : memref<1024x3xf32, #tpu.memory_space<vmem>>, vector<1024x3xf32>
    %slice3A = vector.extract_strided_slice %get3A_1 {offsets = [0, 0], sizes = [1024, 1], strides = [1, 1]} : vector<1024x3xf32> to vector<1024x1xf32>
    %iota3A = tpu.iota {dimensions = array<i32: 1>} : vector<1x1000xi32>
    %convert_element_type3A = arith.fptosi %slice3A : vector<1024x1xf32> to vector<1024x1xi32>
    %eq3A = vector.broadcast %convert_element_type3A : vector<1024x1xi32> to vector<1024x1000xi32>
    %eq3A_5 = vector.broadcast %iota3A : vector<1x1000xi32> to vector<1024x1000xi32>
    %eq3A_6 = arith.cmpi eq, %eq3A, %eq3A_5 : vector<1024x1000xi32>
    %jit3A = arith.constant 1.000000e+00 : f32
    %jit3A_7 = arith.constant 0.000000e+00 : f32
    %broadcast_in_dim3A = vector.broadcast %jit3A : f32 to vector<1024x1000xf32>
    %broadcast_in_dim3A_8 = vector.broadcast %jit3A_7 : f32 to vector<1024x1000xf32>
    %select_n3A = arith.select %eq3A_6, %broadcast_in_dim3A, %broadcast_in_dim3A_8 : vector<1024x1000xi1>, vector<1024x1000xf32>
    %get3A_9 = arith.constant 0 : index
    %get3A_10 = arith.constant 0 : index
    %get3A_11 = vector.load %arg8[%get3A_9, %get3A_10] : memref<1000x33xf32, #tpu.memory_space<vmem>>, vector<1000x33xf32>
    %dot_general3A = arith.constant dense<0.000000e+00> : vector<1024x33xf32>
    %dot_general3A_12 = tpu.matmul %select_n3A, %get3A_11, %dot_general3A {dimension_numbers = #tpu.dot_dimension_numbers<[1], [0], [0], [1], [0, 0, 1, 1], [], []>, transpose_lhs_hint = false} : vector<1024x1000xf32>, vector<1000x33xf32>, vector<1024x33xf32> -> vector<1024x33xf32>
    %slice3A_13 = vector.extract_strided_slice %get3A_1 {offsets = [0, 1], sizes = [1024, 1], strides = [1, 1]} : vector<1024x3xf32> to vector<1024x1xf32>
    %iota3A_14 = tpu.iota {dimensions = array<i32: 1>} : vector<1x1000xi32>
    %convert_element_type3A_15 = arith.fptosi %slice3A_13 : vector<1024x1xf32> to vector<1024x1xi32>
    %eq3A_16 = vector.broadcast %convert_element_type3A_15 : vector<1024x1xi32> to vector<1024x1000xi32>
    %eq3A_17 = vector.broadcast %iota3A_14 : vector<1x1000xi32> to vector<1024x1000xi32>
    %eq3A_18 = arith.cmpi eq, %eq3A_16, %eq3A_17 : vector<1024x1000xi32>
    %jit3A_19 = arith.constant 1.000000e+00 : f32
    %jit3A_20 = arith.constant 0.000000e+00 : f32
    %broadcast_in_dim3A_21 = vector.broadcast %jit3A_19 : f32 to vector<1024x1000xf32>
    %broadcast_in_dim3A_22 = vector.broadcast %jit3A_20 : f32 to vector<1024x1000xf32>
    %select_n3A_23 = arith.select %eq3A_18, %broadcast_in_dim3A_21, %broadcast_in_dim3A_22 : vector<1024x1000xi1>, vector<1024x1000xf32>
    %get3A_24 = arith.constant 0 : index
    %get3A_25 = arith.constant 0 : index
    %get3A_26 = vector.load %arg9[%get3A_24, %get3A_25] : memref<1000x33xf32, #tpu.memory_space<vmem>>, vector<1000x33xf32>
    %dot_general3A_27 = arith.constant dense<0.000000e+00> : vector<1024x33xf32>
    %dot_general3A_28 = tpu.matmul %select_n3A_23, %get3A_26, %dot_general3A_27 {dimension_numbers = #tpu.dot_dimension_numbers<[1], [0], [0], [1], [0, 0, 1, 1], [], []>, transpose_lhs_hint = false} : vector<1024x1000xf32>, vector<1000x33xf32>, vector<1024x33xf32> -> vector<1024x33xf32>
    %slice3A_29 = vector.extract_strided_slice %get3A_1 {offsets = [0, 2], sizes = [1024, 1], strides = [1, 1]} : vector<1024x3xf32> to vector<1024x1xf32>
    %iota3A_30 = tpu.iota {dimensions = array<i32: 1>} : vector<1x1000xi32>
    %convert_element_type3A_31 = arith.fptosi %slice3A_29 : vector<1024x1xf32> to vector<1024x1xi32>
    %eq3A_32 = vector.broadcast %convert_element_type3A_31 : vector<1024x1xi32> to vector<1024x1000xi32>
    %eq3A_33 = vector.broadcast %iota3A_30 : vector<1x1000xi32> to vector<1024x1000xi32>
    %eq3A_34 = arith.cmpi eq, %eq3A_32, %eq3A_33 : vector<1024x1000xi32>
    %jit3A_35 = arith.constant 1.000000e+00 : f32
    %jit3A_36 = arith.constant 0.000000e+00 : f32
    %broadcast_in_dim3A_37 = vector.broadcast %jit3A_35 : f32 to vector<1024x1000xf32>
    %broadcast_in_dim3A_38 = vector.broadcast %jit3A_36 : f32 to vector<1024x1000xf32>
    %select_n3A_39 = arith.select %eq3A_34, %broadcast_in_dim3A_37, %broadcast_in_dim3A_38 : vector<1024x1000xi1>, vector<1024x1000xf32>
    %get3A_40 = arith.constant 0 : index
    %get3A_41 = arith.constant 0 : index
    %get3A_42 = vector.load %arg10[%get3A_40, %get3A_41] : memref<1000x33xf32, #tpu.memory_space<vmem>>, vector<1000x33xf32>
    %dot_general3A_43 = arith.constant dense<0.000000e+00> : vector<1024x33xf32>
    %dot_general3A_44 = tpu.matmul %select_n3A_39, %get3A_42, %dot_general3A_43 {dimension_numbers = #tpu.dot_dimension_numbers<[1], [0], [0], [1], [0, 0, 1, 1], [], []>, transpose_lhs_hint = false} : vector<1024x1000xf32>, vector<1000x33xf32>, vector<1024x33xf32> -> vector<1024x33xf32>
    %slice3A_45 = vector.extract_strided_slice %get3A_4 {offsets = [0, 0], sizes = [1024, 1], strides = [1, 1]} : vector<1024x3xf32> to vector<1024x1xf32>
    %iota3A_46 = tpu.iota {dimensions = array<i32: 1>} : vector<1x100xi32>
    %convert_element_type3A_47 = arith.fptosi %slice3A_45 : vector<1024x1xf32> to vector<1024x1xi32>
    %eq3A_48 = vector.broadcast %convert_element_type3A_47 : vector<1024x1xi32> to vector<1024x100xi32>
    %eq3A_49 = vector.broadcast %iota3A_46 : vector<1x100xi32> to vector<1024x100xi32>
    %eq3A_50 = arith.cmpi eq, %eq3A_48, %eq3A_49 : vector<1024x100xi32>
    %jit3A_51 = arith.constant 1.000000e+00 : f32
    %jit3A_52 = arith.constant 0.000000e+00 : f32
    %broadcast_in_dim3A_53 = vector.broadcast %jit3A_51 : f32 to vector<1024x100xf32>
    %broadcast_in_dim3A_54 = vector.broadcast %jit3A_52 : f32 to vector<1024x100xf32>
    %select_n3A_55 = arith.select %eq3A_50, %broadcast_in_dim3A_53, %broadcast_in_dim3A_54 : vector<1024x100xi1>, vector<1024x100xf32>
    %get3A_56 = arith.constant 0 : index
    %get3A_57 = arith.constant 0 : index
    %get3A_58 = vector.load %arg11[%get3A_56, %get3A_57] : memref<100x33xf32, #tpu.memory_space<vmem>>, vector<100x33xf32>
    %dot_general3A_59 = arith.constant dense<0.000000e+00> : vector<1024x33xf32>
    %dot_general3A_60 = tpu.matmul %select_n3A_55, %get3A_58, %dot_general3A_59 {dimension_numbers = #tpu.dot_dimension_numbers<[1], [0], [0], [1], [0, 0, 1, 1], [], []>, transpose_lhs_hint = false} : vector<1024x100xf32>, vector<100x33xf32>, vector<1024x33xf32> -> vector<1024x33xf32>
    %slice3A_61 = vector.extract_strided_slice %get3A_4 {offsets = [0, 1], sizes = [1024, 1], strides = [1, 1]} : vector<1024x3xf32> to vector<1024x1xf32>
    %iota3A_62 = tpu.iota {dimensions = array<i32: 1>} : vector<1x100xi32>
    %convert_element_type3A_63 = arith.fptosi %slice3A_61 : vector<1024x1xf32> to vector<1024x1xi32>
    %eq3A_64 = vector.broadcast %convert_element_type3A_63 : vector<1024x1xi32> to vector<1024x100xi32>
    %eq3A_65 = vector.broadcast %iota3A_62 : vector<1x100xi32> to vector<1024x100xi32>
    %eq3A_66 = arith.cmpi eq, %eq3A_64, %eq3A_65 : vector<1024x100xi32>
    %jit3A_67 = arith.constant 1.000000e+00 : f32
    %jit3A_68 = arith.constant 0.000000e+00 : f32
    %broadcast_in_dim3A_69 = vector.broadcast %jit3A_67 : f32 to vector<1024x100xf32>
    %broadcast_in_dim3A_70 = vector.broadcast %jit3A_68 : f32 to vector<1024x100xf32>
    %select_n3A_71 = arith.select %eq3A_66, %broadcast_in_dim3A_69, %broadcast_in_dim3A_70 : vector<1024x100xi1>, vector<1024x100xf32>
    %get3A_72 = arith.constant 0 : index
    %get3A_73 = arith.constant 0 : index
    %get3A_74 = vector.load %arg12[%get3A_72, %get3A_73] : memref<100x33xf32, #tpu.memory_space<vmem>>, vector<100x33xf32>
    %dot_general3A_75 = arith.constant dense<0.000000e+00> : vector<1024x33xf32>
    %dot_general3A_76 = tpu.matmul %select_n3A_71, %get3A_74, %dot_general3A_75 {dimension_numbers = #tpu.dot_dimension_numbers<[1], [0], [0], [1], [0, 0, 1, 1], [], []>, transpose_lhs_hint = false} : vector<1024x100xf32>, vector<100x33xf32>, vector<1024x33xf32> -> vector<1024x33xf32>
    %slice3A_77 = vector.extract_strided_slice %get3A_4 {offsets = [0, 2], sizes = [1024, 1], strides = [1, 1]} : vector<1024x3xf32> to vector<1024x1xf32>
    %iota3A_78 = tpu.iota {dimensions = array<i32: 1>} : vector<1x100xi32>
    %convert_element_type3A_79 = arith.fptosi %slice3A_77 : vector<1024x1xf32> to vector<1024x1xi32>
    %eq3A_80 = vector.broadcast %convert_element_type3A_79 : vector<1024x1xi32> to vector<1024x100xi32>
    %eq3A_81 = vector.broadcast %iota3A_78 : vector<1x100xi32> to vector<1024x100xi32>
    %eq3A_82 = arith.cmpi eq, %eq3A_80, %eq3A_81 : vector<1024x100xi32>
    %jit3A_83 = arith.constant 1.000000e+00 : f32
    %jit3A_84 = arith.constant 0.000000e+00 : f32
    %broadcast_in_dim3A_85 = vector.broadcast %jit3A_83 : f32 to vector<1024x100xf32>
    %broadcast_in_dim3A_86 = vector.broadcast %jit3A_84 : f32 to vector<1024x100xf32>
    %select_n3A_87 = arith.select %eq3A_82, %broadcast_in_dim3A_85, %broadcast_in_dim3A_86 : vector<1024x100xi1>, vector<1024x100xf32>
    %get3A_88 = arith.constant 0 : index
    %get3A_89 = arith.constant 0 : index
    %get3A_90 = vector.load %arg13[%get3A_88, %get3A_89] : memref<100x33xf32, #tpu.memory_space<vmem>>, vector<100x33xf32>
    %dot_general3A_91 = arith.constant dense<0.000000e+00> : vector<1024x33xf32>
    %dot_general3A_92 = tpu.matmul %select_n3A_87, %get3A_90, %dot_general3A_91 {dimension_numbers = #tpu.dot_dimension_numbers<[1], [0], [0], [1], [0, 0, 1, 1], [], []>, transpose_lhs_hint = false} : vector<1024x100xf32>, vector<100x33xf32>, vector<1024x33xf32> -> vector<1024x33xf32>
    %get3A_93 = arith.constant 0 : index
    %get3A_94 = arith.constant 0 : index
    %get3A_95 = vector.load %arg5[%get3A_93, %get3A_94] : memref<1024x10xf32, #tpu.memory_space<vmem>>, vector<1024x10xf32>
    %get3A_96 = arith.constant 0 : index
    %get3A_97 = arith.constant 0 : index
    %get3A_98 = vector.load %arg6[%get3A_96, %get3A_97] : memref<1024x10xf32, #tpu.memory_space<vmem>>, vector<1024x10xf32>
    %get3A_99 = arith.constant 0 : index
    %get3A_100 = arith.constant 0 : index
    %get3A_101 = vector.load %arg7[%get3A_99, %get3A_100] : memref<1024x5xf32, #tpu.memory_space<vmem>>, vector<1024x5xf32>
    %get3A_102 = arith.constant 0 : index
    %get3A_103 = arith.constant 0 : index
    %get3A_104 = vector.load %arg14[%get3A_102, %get3A_103] : memref<10x32xf32, #tpu.memory_space<vmem>>, vector<10x32xf32>
    %dot_general3A_105 = arith.constant dense<0.000000e+00> : vector<1024x32xf32>
    %dot_general3A_106 = tpu.matmul %get3A_95, %get3A_104, %dot_general3A_105 {dimension_numbers = #tpu.dot_dimension_numbers<[1], [0], [0], [1], [0, 0, 1, 1], [], []>, transpose_lhs_hint = false} : vector<1024x10xf32>, vector<10x32xf32>, vector<1024x32xf32> -> vector<1024x32xf32>
    %get3A_107 = arith.constant 0 : index
    %get3A_108 = arith.constant 0 : index
    %get3A_109 = vector.load %arg15[%get3A_107, %get3A_108] : memref<10x32xf32, #tpu.memory_space<vmem>>, vector<10x32xf32>
    %dot_general3A_110 = arith.constant dense<0.000000e+00> : vector<1024x32xf32>
    %dot_general3A_111 = tpu.matmul %get3A_98, %get3A_109, %dot_general3A_110 {dimension_numbers = #tpu.dot_dimension_numbers<[1], [0], [0], [1], [0, 0, 1, 1], [], []>, transpose_lhs_hint = false} : vector<1024x10xf32>, vector<10x32xf32>, vector<1024x32xf32> -> vector<1024x32xf32>
    %slice3A_112 = vector.extract_strided_slice %dot_general3A_12 {offsets = [0, 0], sizes = [1024, 32], strides = [1, 1]} : vector<1024x33xf32> to vector<1024x32xf32>
    %slice3A_113 = vector.extract_strided_slice %dot_general3A_28 {offsets = [0, 0], sizes = [1024, 32], strides = [1, 1]} : vector<1024x33xf32> to vector<1024x32xf32>
    %slice3A_114 = vector.extract_strided_slice %dot_general3A_44 {offsets = [0, 0], sizes = [1024, 32], strides = [1, 1]} : vector<1024x33xf32> to vector<1024x32xf32>
    %slice3A_115 = vector.extract_strided_slice %dot_general3A_60 {offsets = [0, 0], sizes = [1024, 32], strides = [1, 1]} : vector<1024x33xf32> to vector<1024x32xf32>
    %slice3A_116 = vector.extract_strided_slice %dot_general3A_76 {offsets = [0, 0], sizes = [1024, 32], strides = [1, 1]} : vector<1024x33xf32> to vector<1024x32xf32>
    %slice3A_117 = vector.extract_strided_slice %dot_general3A_92 {offsets = [0, 0], sizes = [1024, 32], strides = [1, 1]} : vector<1024x33xf32> to vector<1024x32xf32>
    %get3A_118 = arith.constant 0 : index
    %get3A_119 = arith.constant 0 : index
    %get3A_120 = vector.load %arg1[%get3A_118, %get3A_119] : memref<1024x32xf32, #tpu.memory_space<vmem>>, vector<1024x32xf32>
    %get3A_121 = arith.constant 0 : index
    %get3A_122 = arith.constant 0 : index
    %get3A_123 = vector.load %arg2[%get3A_121, %get3A_122] : memref<1024x32xf32, #tpu.memory_space<vmem>>, vector<1024x32xf32>
    %mul3A = arith.mulf %slice3A_112, %slice3A_112 : vector<1024x32xf32>
    %add3A = arith.addf %slice3A_112, %slice3A_113 : vector<1024x32xf32>
    %mul3A_124 = arith.mulf %slice3A_113, %slice3A_113 : vector<1024x32xf32>
    %add3A_125 = arith.addf %mul3A, %mul3A_124 : vector<1024x32xf32>
    %add3A_126 = arith.addf %add3A, %slice3A_114 : vector<1024x32xf32>
    %mul3A_127 = arith.mulf %slice3A_114, %slice3A_114 : vector<1024x32xf32>
    %add3A_128 = arith.addf %add3A_125, %mul3A_127 : vector<1024x32xf32>
    %add3A_129 = arith.addf %add3A_126, %dot_general3A_106 : vector<1024x32xf32>
    %mul3A_130 = arith.mulf %dot_general3A_106, %dot_general3A_106 : vector<1024x32xf32>
    %add3A_131 = arith.addf %add3A_128, %mul3A_130 : vector<1024x32xf32>
    %add3A_132 = arith.addf %add3A_129, %slice3A_115 : vector<1024x32xf32>
    %mul3A_133 = arith.mulf %slice3A_115, %slice3A_115 : vector<1024x32xf32>
    %add3A_134 = arith.addf %add3A_131, %mul3A_133 : vector<1024x32xf32>
    %add3A_135 = arith.addf %add3A_132, %slice3A_116 : vector<1024x32xf32>
    %mul3A_136 = arith.mulf %slice3A_116, %slice3A_116 : vector<1024x32xf32>
    %add3A_137 = arith.addf %add3A_134, %mul3A_136 : vector<1024x32xf32>
    %add3A_138 = arith.addf %add3A_135, %slice3A_117 : vector<1024x32xf32>
    %mul3A_139 = arith.mulf %slice3A_117, %slice3A_117 : vector<1024x32xf32>
    %add3A_140 = arith.addf %add3A_137, %mul3A_139 : vector<1024x32xf32>
    %add3A_141 = arith.addf %add3A_138, %dot_general3A_111 : vector<1024x32xf32>
    %mul3A_142 = arith.mulf %dot_general3A_111, %dot_general3A_111 : vector<1024x32xf32>
    %add3A_143 = arith.addf %add3A_140, %mul3A_142 : vector<1024x32xf32>
    %add3A_144 = arith.addf %add3A_141, %get3A_120 : vector<1024x32xf32>
    %mul3A_145 = arith.mulf %get3A_120, %get3A_120 : vector<1024x32xf32>
    %add3A_146 = arith.addf %add3A_143, %mul3A_145 : vector<1024x32xf32>
    %add3A_147 = arith.addf %add3A_144, %get3A_123 : vector<1024x32xf32>
    %mul3A_148 = arith.mulf %get3A_123, %get3A_123 : vector<1024x32xf32>
    %add3A_149 = arith.addf %add3A_146, %mul3A_148 : vector<1024x32xf32>
    %mul3A_150 = arith.mulf %add3A_147, %add3A_147 : vector<1024x32xf32>
    %sub3A = arith.subf %mul3A_150, %add3A_149 : vector<1024x32xf32>
    %reduce_sum3A = arith.constant dense<0.000000e+00> : vector<1024xf32>
    %reduce_sum3A_151 = vector.multi_reduction <add>, %sub3A, %reduce_sum3A [1] : vector<1024x32xf32> to vector<1024xf32>
    %broadcast_in_dim3A_152 = vector.shape_cast %reduce_sum3A_151 : vector<1024xf32> to vector<1024x1xf32>
    %mul3A_153 = arith.constant 5.000000e-01 : f32
    %mul3A_154 = vector.broadcast %mul3A_153 : f32 to vector<1024x1xf32>
    %mul3A_155 = arith.mulf %mul3A_154, %broadcast_in_dim3A_152 : vector<1024x1xf32>
    %slice3A_156 = vector.extract_strided_slice %dot_general3A_12 {offsets = [0, 32], sizes = [1024, 1], strides = [1, 1]} : vector<1024x33xf32> to vector<1024x1xf32>
    %slice3A_157 = vector.extract_strided_slice %dot_general3A_28 {offsets = [0, 32], sizes = [1024, 1], strides = [1, 1]} : vector<1024x33xf32> to vector<1024x1xf32>
    %add3A_158 = arith.addf %slice3A_156, %slice3A_157 : vector<1024x1xf32>
    %slice3A_159 = vector.extract_strided_slice %dot_general3A_44 {offsets = [0, 32], sizes = [1024, 1], strides = [1, 1]} : vector<1024x33xf32> to vector<1024x1xf32>
    %add3A_160 = arith.addf %add3A_158, %slice3A_159 : vector<1024x1xf32>
    %slice3A_161 = vector.extract_strided_slice %dot_general3A_60 {offsets = [0, 32], sizes = [1024, 1], strides = [1, 1]} : vector<1024x33xf32> to vector<1024x1xf32>
    %add3A_162 = arith.addf %add3A_160, %slice3A_161 : vector<1024x1xf32>
    %slice3A_163 = vector.extract_strided_slice %dot_general3A_76 {offsets = [0, 32], sizes = [1024, 1], strides = [1, 1]} : vector<1024x33xf32> to vector<1024x1xf32>
    %add3A_164 = arith.addf %add3A_162, %slice3A_163 : vector<1024x1xf32>
    %slice3A_165 = vector.extract_strided_slice %dot_general3A_92 {offsets = [0, 32], sizes = [1024, 1], strides = [1, 1]} : vector<1024x33xf32> to vector<1024x1xf32>
    %add3A_166 = arith.addf %add3A_164, %slice3A_165 : vector<1024x1xf32>
    %get3A_167 = arith.constant 0 : index
    %get3A_168 = arith.constant 0 : index
    %get3A_169 = vector.load %arg16[%get3A_167, %get3A_168] : memref<1x10xf32, #tpu.memory_space<vmem>>, vector<1x10xf32>
    %mul3A_170 = vector.broadcast %get3A_169 : vector<1x10xf32> to vector<1024x10xf32>
    %mul3A_171 = arith.mulf %get3A_95, %mul3A_170 : vector<1024x10xf32>
    %reduce_sum3A_172 = arith.constant dense<0.000000e+00> : vector<1024xf32>
    %reduce_sum3A_173 = vector.multi_reduction <add>, %mul3A_171, %reduce_sum3A_172 [1] : vector<1024x10xf32> to vector<1024xf32>
    %broadcast_in_dim3A_174 = vector.shape_cast %reduce_sum3A_173 : vector<1024xf32> to vector<1024x1xf32>
    %add3A_175 = arith.addf %add3A_166, %broadcast_in_dim3A_174 : vector<1024x1xf32>
    %get3A_176 = arith.constant 0 : index
    %get3A_177 = arith.constant 0 : index
    %get3A_178 = vector.load %arg17[%get3A_176, %get3A_177] : memref<1x10xf32, #tpu.memory_space<vmem>>, vector<1x10xf32>
    %mul3A_179 = vector.broadcast %get3A_178 : vector<1x10xf32> to vector<1024x10xf32>
    %mul3A_180 = arith.mulf %get3A_98, %mul3A_179 : vector<1024x10xf32>
    %reduce_sum3A_181 = arith.constant dense<0.000000e+00> : vector<1024xf32>
    %reduce_sum3A_182 = vector.multi_reduction <add>, %mul3A_180, %reduce_sum3A_181 [1] : vector<1024x10xf32> to vector<1024xf32>
    %broadcast_in_dim3A_183 = vector.shape_cast %reduce_sum3A_182 : vector<1024xf32> to vector<1024x1xf32>
    %add3A_184 = arith.addf %add3A_175, %broadcast_in_dim3A_183 : vector<1024x1xf32>
    %get3A_185 = arith.constant 0 : index
    %get3A_186 = arith.constant 0 : index
    %get3A_187 = vector.load %arg18[%get3A_185, %get3A_186] : memref<1x5xf32, #tpu.memory_space<vmem>>, vector<1x5xf32>
    %mul3A_188 = vector.broadcast %get3A_187 : vector<1x5xf32> to vector<1024x5xf32>
    %mul3A_189 = arith.mulf %get3A_101, %mul3A_188 : vector<1024x5xf32>
    %reduce_sum3A_190 = arith.constant dense<0.000000e+00> : vector<1024xf32>
    %reduce_sum3A_191 = vector.multi_reduction <add>, %mul3A_189, %reduce_sum3A_190 [1] : vector<1024x5xf32> to vector<1024xf32>
    %broadcast_in_dim3A_192 = vector.shape_cast %reduce_sum3A_191 : vector<1024xf32> to vector<1024x1xf32>
    %add3A_193 = arith.addf %add3A_184, %broadcast_in_dim3A_192 : vector<1024x1xf32>
    %get3A_194 = arith.constant 0 : index
    %get3A_195 = arith.constant 0 : index
    %get3A_196 = vector.load %arg19[%get3A_194, %get3A_195] : memref<1x1xf32, #tpu.memory_space<vmem>>, vector<1x1xf32>
    %add3A_197 = vector.broadcast %get3A_196 : vector<1x1xf32> to vector<1024x1xf32>
    %add3A_198 = arith.addf %add3A_193, %add3A_197 : vector<1024x1xf32>
    %get3A_199 = arith.constant 0 : index
    %get3A_200 = arith.constant 0 : index
    %get3A_201 = vector.load %arg20[%get3A_199, %get3A_200] : memref<5x320xf32, #tpu.memory_space<vmem>>, vector<5x320xf32>
    %dot_general3A_202 = arith.constant dense<0.000000e+00> : vector<1024x320xf32>
    %dot_general3A_203 = tpu.matmul %get3A_101, %get3A_201, %dot_general3A_202 {dimension_numbers = #tpu.dot_dimension_numbers<[1], [0], [0], [1], [0, 0, 1, 1], [], []>, transpose_lhs_hint = false} : vector<1024x5xf32>, vector<5x320xf32>, vector<1024x320xf32> -> vector<1024x320xf32>
    %get3A_204 = arith.constant 0 : index
    %get3A_205 = arith.constant 0 : index
    %get3A_206 = vector.load %arg21[%get3A_204, %get3A_205] : memref<1x320xf32, #tpu.memory_space<vmem>>, vector<1x320xf32>
    %add3A_207 = vector.broadcast %get3A_206 : vector<1x320xf32> to vector<1024x320xf32>
    %add3A_208 = arith.addf %dot_general3A_203, %add3A_207 : vector<1024x320xf32>
    %max3A = arith.constant 0.000000e+00 : f32
    %max3A_209 = vector.broadcast %max3A : f32 to vector<1024x320xf32>
    %max3A_210 = arith.maximumf %add3A_208, %max3A_209 : vector<1024x320xf32>
    %get3A_211 = arith.constant 0 : index
    %get3A_212 = arith.constant 0 : index
    %get3A_213 = vector.load %arg22[%get3A_211, %get3A_212] : memref<320x256xf32, #tpu.memory_space<vmem>>, vector<320x256xf32>
    %dot_general3A_214 = arith.constant dense<0.000000e+00> : vector<1024x256xf32>
    %dot_general3A_215 = tpu.matmul %max3A_210, %get3A_213, %dot_general3A_214 {dimension_numbers = #tpu.dot_dimension_numbers<[1], [0], [0], [1], [0, 0, 1, 1], [], []>, transpose_lhs_hint = false} : vector<1024x320xf32>, vector<320x256xf32>, vector<1024x256xf32> -> vector<1024x256xf32>
    %slice3A_216 = vector.extract_strided_slice %get3A_213 {offsets = [0, 0], sizes = [32, 256], strides = [1, 1]} : vector<320x256xf32> to vector<32x256xf32>
    %dot_general3A_217 = arith.constant dense<0.000000e+00> : vector<1024x256xf32>
    %dot_general3A_218 = tpu.matmul %slice3A_112, %slice3A_216, %dot_general3A_217 {dimension_numbers = #tpu.dot_dimension_numbers<[1], [0], [0], [1], [0, 0, 1, 1], [], []>, transpose_lhs_hint = false} : vector<1024x32xf32>, vector<32x256xf32>, vector<1024x256xf32> -> vector<1024x256xf32>
    %add3A_219 = arith.addf %dot_general3A_215, %dot_general3A_218 : vector<1024x256xf32>
    %slice3A_220 = vector.extract_strided_slice %get3A_213 {offsets = [32, 0], sizes = [32, 256], strides = [1, 1]} : vector<320x256xf32> to vector<32x256xf32>
    %dot_general3A_221 = arith.constant dense<0.000000e+00> : vector<1024x256xf32>
    %dot_general3A_222 = tpu.matmul %slice3A_113, %slice3A_220, %dot_general3A_221 {dimension_numbers = #tpu.dot_dimension_numbers<[1], [0], [0], [1], [0, 0, 1, 1], [], []>, transpose_lhs_hint = false} : vector<1024x32xf32>, vector<32x256xf32>, vector<1024x256xf32> -> vector<1024x256xf32>
    %add3A_223 = arith.addf %add3A_219, %dot_general3A_222 : vector<1024x256xf32>
    %slice3A_224 = vector.extract_strided_slice %get3A_213 {offsets = [64, 0], sizes = [32, 256], strides = [1, 1]} : vector<320x256xf32> to vector<32x256xf32>
    %dot_general3A_225 = arith.constant dense<0.000000e+00> : vector<1024x256xf32>
    %dot_general3A_226 = tpu.matmul %slice3A_114, %slice3A_224, %dot_general3A_225 {dimension_numbers = #tpu.dot_dimension_numbers<[1], [0], [0], [1], [0, 0, 1, 1], [], []>, transpose_lhs_hint = false} : vector<1024x32xf32>, vector<32x256xf32>, vector<1024x256xf32> -> vector<1024x256xf32>
    %add3A_227 = arith.addf %add3A_223, %dot_general3A_226 : vector<1024x256xf32>
    %slice3A_228 = vector.extract_strided_slice %get3A_213 {offsets = [96, 0], sizes = [32, 256], strides = [1, 1]} : vector<320x256xf32> to vector<32x256xf32>
    %dot_general3A_229 = arith.constant dense<0.000000e+00> : vector<1024x256xf32>
    %dot_general3A_230 = tpu.matmul %dot_general3A_106, %slice3A_228, %dot_general3A_229 {dimension_numbers = #tpu.dot_dimension_numbers<[1], [0], [0], [1], [0, 0, 1, 1], [], []>, transpose_lhs_hint = false} : vector<1024x32xf32>, vector<32x256xf32>, vector<1024x256xf32> -> vector<1024x256xf32>
    %add3A_231 = arith.addf %add3A_227, %dot_general3A_230 : vector<1024x256xf32>
    %slice3A_232 = vector.extract_strided_slice %get3A_213 {offsets = [128, 0], sizes = [32, 256], strides = [1, 1]} : vector<320x256xf32> to vector<32x256xf32>
    %dot_general3A_233 = arith.constant dense<0.000000e+00> : vector<1024x256xf32>
    %dot_general3A_234 = tpu.matmul %slice3A_115, %slice3A_232, %dot_general3A_233 {dimension_numbers = #tpu.dot_dimension_numbers<[1], [0], [0], [1], [0, 0, 1, 1], [], []>, transpose_lhs_hint = false} : vector<1024x32xf32>, vector<32x256xf32>, vector<1024x256xf32> -> vector<1024x256xf32>
    %add3A_235 = arith.addf %add3A_231, %dot_general3A_234 : vector<1024x256xf32>
    %slice3A_236 = vector.extract_strided_slice %get3A_213 {offsets = [160, 0], sizes = [32, 256], strides = [1, 1]} : vector<320x256xf32> to vector<32x256xf32>
    %dot_general3A_237 = arith.constant dense<0.000000e+00> : vector<1024x256xf32>
    %dot_general3A_238 = tpu.matmul %slice3A_116, %slice3A_236, %dot_general3A_237 {dimension_numbers = #tpu.dot_dimension_numbers<[1], [0], [0], [1], [0, 0, 1, 1], [], []>, transpose_lhs_hint = false} : vector<1024x32xf32>, vector<32x256xf32>, vector<1024x256xf32> -> vector<1024x256xf32>
    %add3A_239 = arith.addf %add3A_235, %dot_general3A_238 : vector<1024x256xf32>
    %slice3A_240 = vector.extract_strided_slice %get3A_213 {offsets = [192, 0], sizes = [32, 256], strides = [1, 1]} : vector<320x256xf32> to vector<32x256xf32>
    %dot_general3A_241 = arith.constant dense<0.000000e+00> : vector<1024x256xf32>
    %dot_general3A_242 = tpu.matmul %slice3A_117, %slice3A_240, %dot_general3A_241 {dimension_numbers = #tpu.dot_dimension_numbers<[1], [0], [0], [1], [0, 0, 1, 1], [], []>, transpose_lhs_hint = false} : vector<1024x32xf32>, vector<32x256xf32>, vector<1024x256xf32> -> vector<1024x256xf32>
    %add3A_243 = arith.addf %add3A_239, %dot_general3A_242 : vector<1024x256xf32>
    %slice3A_244 = vector.extract_strided_slice %get3A_213 {offsets = [224, 0], sizes = [32, 256], strides = [1, 1]} : vector<320x256xf32> to vector<32x256xf32>
    %dot_general3A_245 = arith.constant dense<0.000000e+00> : vector<1024x256xf32>
    %dot_general3A_246 = tpu.matmul %dot_general3A_111, %slice3A_244, %dot_general3A_245 {dimension_numbers = #tpu.dot_dimension_numbers<[1], [0], [0], [1], [0, 0, 1, 1], [], []>, transpose_lhs_hint = false} : vector<1024x32xf32>, vector<32x256xf32>, vector<1024x256xf32> -> vector<1024x256xf32>
    %add3A_247 = arith.addf %add3A_243, %dot_general3A_246 : vector<1024x256xf32>
    %slice3A_248 = vector.extract_strided_slice %get3A_213 {offsets = [256, 0], sizes = [32, 256], strides = [1, 1]} : vector<320x256xf32> to vector<32x256xf32>
    %dot_general3A_249 = arith.constant dense<0.000000e+00> : vector<1024x256xf32>
    %dot_general3A_250 = tpu.matmul %get3A_120, %slice3A_248, %dot_general3A_249 {dimension_numbers = #tpu.dot_dimension_numbers<[1], [0], [0], [1], [0, 0, 1, 1], [], []>, transpose_lhs_hint = false} : vector<1024x32xf32>, vector<32x256xf32>, vector<1024x256xf32> -> vector<1024x256xf32>
    %add3A_251 = arith.addf %add3A_247, %dot_general3A_250 : vector<1024x256xf32>
    %slice3A_252 = vector.extract_strided_slice %get3A_213 {offsets = [288, 0], sizes = [32, 256], strides = [1, 1]} : vector<320x256xf32> to vector<32x256xf32>
    %dot_general3A_253 = arith.constant dense<0.000000e+00> : vector<1024x256xf32>
    %dot_general3A_254 = tpu.matmul %get3A_123, %slice3A_252, %dot_general3A_253 {dimension_numbers = #tpu.dot_dimension_numbers<[1], [0], [0], [1], [0, 0, 1, 1], [], []>, transpose_lhs_hint = false} : vector<1024x32xf32>, vector<32x256xf32>, vector<1024x256xf32> -> vector<1024x256xf32>
    %add3A_255 = arith.addf %add3A_251, %dot_general3A_254 : vector<1024x256xf32>
    %get3A_256 = arith.constant 0 : index
    %get3A_257 = arith.constant 0 : index
    %get3A_258 = vector.load %arg23[%get3A_256, %get3A_257] : memref<1x256xf32, #tpu.memory_space<vmem>>, vector<1x256xf32>
    %mul3A_259 = vector.broadcast %get3A_258 : vector<1x256xf32> to vector<1024x256xf32>
    %mul3A_260 = arith.mulf %add3A_255, %mul3A_259 : vector<1024x256xf32>
    %get3A_261 = arith.constant 0 : index
    %get3A_262 = arith.constant 0 : index
    %get3A_263 = vector.load %arg24[%get3A_261, %get3A_262] : memref<1x256xf32, #tpu.memory_space<vmem>>, vector<1x256xf32>
    %add3A_264 = vector.broadcast %get3A_263 : vector<1x256xf32> to vector<1024x256xf32>
    %add3A_265 = arith.addf %mul3A_260, %add3A_264 : vector<1024x256xf32>
    %max3A_266 = arith.constant 0.000000e+00 : f32
    %max3A_267 = vector.broadcast %max3A_266 : f32 to vector<1024x256xf32>
    %max3A_268 = arith.maximumf %add3A_265, %max3A_267 : vector<1024x256xf32>
    %get3A_269 = arith.constant 0 : index
    %get3A_270 = arith.constant 0 : index
    %get3A_271 = vector.load %arg25[%get3A_269, %get3A_270] : memref<256x128xf32, #tpu.memory_space<vmem>>, vector<256x128xf32>
    %dot_general3A_272 = arith.constant dense<0.000000e+00> : vector<1024x128xf32>
    %dot_general3A_273 = tpu.matmul %max3A_268, %get3A_271, %dot_general3A_272 {dimension_numbers = #tpu.dot_dimension_numbers<[1], [0], [0], [1], [0, 0, 1, 1], [], []>, transpose_lhs_hint = false} : vector<1024x256xf32>, vector<256x128xf32>, vector<1024x128xf32> -> vector<1024x128xf32>
    %get3A_274 = arith.constant 0 : index
    %get3A_275 = arith.constant 0 : index
    %get3A_276 = vector.load %arg26[%get3A_274, %get3A_275] : memref<1x128xf32, #tpu.memory_space<vmem>>, vector<1x128xf32>
    %mul3A_277 = vector.broadcast %get3A_276 : vector<1x128xf32> to vector<1024x128xf32>
    %mul3A_278 = arith.mulf %dot_general3A_273, %mul3A_277 : vector<1024x128xf32>
    %get3A_279 = arith.constant 0 : index
    %get3A_280 = arith.constant 0 : index
    %get3A_281 = vector.load %arg27[%get3A_279, %get3A_280] : memref<1x128xf32, #tpu.memory_space<vmem>>, vector<1x128xf32>
    %add3A_282 = vector.broadcast %get3A_281 : vector<1x128xf32> to vector<1024x128xf32>
    %add3A_283 = arith.addf %mul3A_278, %add3A_282 : vector<1024x128xf32>
    %max3A_284 = arith.constant 0.000000e+00 : f32
    %max3A_285 = vector.broadcast %max3A_284 : f32 to vector<1024x128xf32>
    %max3A_286 = arith.maximumf %add3A_283, %max3A_285 : vector<1024x128xf32>
    %get3A_287 = arith.constant 0 : index
    %get3A_288 = arith.constant 0 : index
    %get3A_289 = vector.load %arg28[%get3A_287, %get3A_288] : memref<1x128xf32, #tpu.memory_space<vmem>>, vector<1x128xf32>
    %mul3A_290 = vector.broadcast %get3A_289 : vector<1x128xf32> to vector<1024x128xf32>
    %mul3A_291 = arith.mulf %max3A_286, %mul3A_290 : vector<1024x128xf32>
    %reduce_sum3A_292 = arith.constant dense<0.000000e+00> : vector<1024xf32>
    %reduce_sum3A_293 = vector.multi_reduction <add>, %mul3A_291, %reduce_sum3A_292 [1] : vector<1024x128xf32> to vector<1024xf32>
    %broadcast_in_dim3A_294 = vector.shape_cast %reduce_sum3A_293 : vector<1024xf32> to vector<1024x1xf32>
    %add3A_295 = arith.addf %add3A_198, %mul3A_155 : vector<1024x1xf32>
    %add3A_296 = arith.addf %add3A_295, %broadcast_in_dim3A_294 : vector<1024x1xf32>
    %swap3A = arith.constant 0 : index
    %swap3A_297 = arith.constant 0 : index
    %swap3A_298 = vector.load %arg29[%swap3A, %swap3A_297] : memref<1024x1xf32, #tpu.memory_space<vmem>>, vector<1024x1xf32>
    tpu.vector_store %arg29[%swap3A, %swap3A_297], %add3A_296 {strides = array<i32>} : memref<1024x1xf32, #tpu.memory_space<vmem>>, vector<1024x1xf32>,
    return
  }
  func.func @transform_0(%arg0: i32) -> (i32, i32) {
    %c0_i32 = arith.constant 0 : i32
    %c0_i32_0 = arith.constant 0 : i32
    return %arg0, %c0_i32 : i32, i32
  }
  func.func @transform_1(%arg0: i32) -> (i32, i32) {
    %c0_i32 = arith.constant 0 : i32
    %c0_i32_0 = arith.constant 0 : i32
    return %arg0, %c0_i32 : i32, i32
  }
  func.func @transform_2(%arg0: i32) -> (i32, i32) {
    %c0_i32 = arith.constant 0 : i32
    %c0_i32_0 = arith.constant 0 : i32
    return %arg0, %c0_i32 : i32, i32
  }
  func.func @transform_3(%arg0: i32) -> (i32, i32) {
    %c0_i32 = arith.constant 0 : i32
    %c0_i32_0 = arith.constant 0 : i32
    return %arg0, %c0_i32 : i32, i32
  }
  func.func @transform_4(%arg0: i32) -> (i32, i32) {
    %c0_i32 = arith.constant 0 : i32
    %c0_i32_0 = arith.constant 0 : i32
    return %arg0, %c0_i32 : i32, i32
  }
  func.func @transform_5(%arg0: i32) -> (i32, i32) {
    %c0_i32 = arith.constant 0 : i32
    %c0_i32_0 = arith.constant 0 : i32
    return %arg0, %c0_i32 : i32, i32
  }
  func.func @transform_6(%arg0: i32) -> (i32, i32) {
    %c0_i32 = arith.constant 0 : i32
    %c0_i32_0 = arith.constant 0 : i32
    return %arg0, %c0_i32 : i32, i32
  }
  func.func @transform_7(%arg0: i32) -> (i32, i32) {
    %c0_i32 = arith.constant 0 : i32
    %c0_i32_0 = arith.constant 0 : i32
    %c0_i32_1 = arith.constant 0 : i32
    return %c0_i32, %c0_i32_0 : i32, i32
  }
  func.func @transform_8(%arg0: i32) -> (i32, i32) {
    %c0_i32 = arith.constant 0 : i32
    %c0_i32_0 = arith.constant 0 : i32
    %c0_i32_1 = arith.constant 0 : i32
    return %c0_i32, %c0_i32_0 : i32, i32
  }
  func.func @transform_9(%arg0: i32) -> (i32, i32) {
    %c0_i32 = arith.constant 0 : i32
    %c0_i32_0 = arith.constant 0 : i32
    %c0_i32_1 = arith.constant 0 : i32
    return %c0_i32, %c0_i32_0 : i32, i32
  }
  func.func @transform_10(%arg0: i32) -> (i32, i32) {
    %c0_i32 = arith.constant 0 : i32
    %c0_i32_0 = arith.constant 0 : i32
    %c0_i32_1 = arith.constant 0 : i32
    return %c0_i32, %c0_i32_0 : i32, i32
  }
  func.func @transform_11(%arg0: i32) -> (i32, i32) {
    %c0_i32 = arith.constant 0 : i32
    %c0_i32_0 = arith.constant 0 : i32
    %c0_i32_1 = arith.constant 0 : i32
    return %c0_i32, %c0_i32_0 : i32, i32
  }
  func.func @transform_12(%arg0: i32) -> (i32, i32) {
    %c0_i32 = arith.constant 0 : i32
    %c0_i32_0 = arith.constant 0 : i32
    %c0_i32_1 = arith.constant 0 : i32
    return %c0_i32, %c0_i32_0 : i32, i32
  }
  func.func @transform_13(%arg0: i32) -> (i32, i32) {
    %c0_i32 = arith.constant 0 : i32
    %c0_i32_0 = arith.constant 0 : i32
    %c0_i32_1 = arith.constant 0 : i32
    return %c0_i32, %c0_i32_0 : i32, i32
  }
  func.func @transform_14(%arg0: i32) -> (i32, i32) {
    %c0_i32 = arith.constant 0 : i32
    %c0_i32_0 = arith.constant 0 : i32
    %c0_i32_1 = arith.constant 0 : i32
    return %c0_i32, %c0_i32_0 : i32, i32
  }
  func.func @transform_15(%arg0: i32) -> (i32, i32) {
    %c0_i32 = arith.constant 0 : i32
    %c0_i32_0 = arith.constant 0 : i32
    %c0_i32_1 = arith.constant 0 : i32
    return %c0_i32, %c0_i32_0 : i32, i32
  }
  func.func @transform_16(%arg0: i32) -> (i32, i32) {
    %c0_i32 = arith.constant 0 : i32
    %c0_i32_0 = arith.constant 0 : i32
    %c0_i32_1 = arith.constant 0 : i32
    return %c0_i32, %c0_i32_0 : i32, i32
  }
  func.func @transform_17(%arg0: i32) -> (i32, i32) {
    %c0_i32 = arith.constant 0 : i32
    %c0_i32_0 = arith.constant 0 : i32
    %c0_i32_1 = arith.constant 0 : i32
    return %c0_i32, %c0_i32_0 : i32, i32
  }
  func.func @transform_18(%arg0: i32) -> (i32, i32) {
    %c0_i32 = arith.constant 0 : i32
    %c0_i32_0 = arith.constant 0 : i32
    %c0_i32_1 = arith.constant 0 : i32
    return %c0_i32, %c0_i32_0 : i32, i32
  }
  func.func @transform_19(%arg0: i32) -> (i32, i32) {
    %c0_i32 = arith.constant 0 : i32
    %c0_i32_0 = arith.constant 0 : i32
    %c0_i32_1 = arith.constant 0 : i32
    return %c0_i32, %c0_i32_0 : i32, i32
  }
  func.func @transform_20(%arg0: i32) -> (i32, i32) {
    %c0_i32 = arith.constant 0 : i32
    %c0_i32_0 = arith.constant 0 : i32
    %c0_i32_1 = arith.constant 0 : i32
    return %c0_i32, %c0_i32_0 : i32, i32
  }
  func.func @transform_21(%arg0: i32) -> (i32, i32) {
    %c0_i32 = arith.constant 0 : i32
    %c0_i32_0 = arith.constant 0 : i32
    %c0_i32_1 = arith.constant 0 : i32
    return %c0_i32, %c0_i32_0 : i32, i32
  }
  func.func @transform_22(%arg0: i32) -> (i32, i32) {
    %c0_i32 = arith.constant 0 : i32
    %c0_i32_0 = arith.constant 0 : i32
    %c0_i32_1 = arith.constant 0 : i32
    return %c0_i32, %c0_i32_0 : i32, i32
  }
  func.func @transform_23(%arg0: i32) -> (i32, i32) {
    %c0_i32 = arith.constant 0 : i32
    %c0_i32_0 = arith.constant 0 : i32
    %c0_i32_1 = arith.constant 0 : i32
    return %c0_i32, %c0_i32_0 : i32, i32
  }
  func.func @transform_24(%arg0: i32) -> (i32, i32) {
    %c0_i32 = arith.constant 0 : i32
    %c0_i32_0 = arith.constant 0 : i32
    %c0_i32_1 = arith.constant 0 : i32
    return %c0_i32, %c0_i32_0 : i32, i32
  }
  func.func @transform_25(%arg0: i32) -> (i32, i32) {
    %c0_i32 = arith.constant 0 : i32
    %c0_i32_0 = arith.constant 0 : i32
    %c0_i32_1 = arith.constant 0 : i32
    return %c0_i32, %c0_i32_0 : i32, i32
  }
  func.func @transform_26(%arg0: i32) -> (i32, i32) {
    %c0_i32 = arith.constant 0 : i32
    %c0_i32_0 = arith.constant 0 : i32
    %c0_i32_1 = arith.constant 0 : i32
    return %c0_i32, %c0_i32_0 : i32, i32
  }
  func.func @transform_27(%arg0: i32) -> (i32, i32) {
    %c0_i32 = arith.constant 0 : i32
    %c0_i32_0 = arith.constant 0 : i32
    %c0_i32_1 = arith.constant 0 : i32
    return %c0_i32, %c0_i32_0 : i32, i32
  }
  func.func @transform_28(%arg0: i32) -> (i32, i32) {
    %c0_i32 = arith.constant 0 : i32
    %c0_i32_0 = arith.constant 0 : i32
    return %arg0, %c0_i32 : i32, i32
  }
}

</mosaic_0001>

<sc_bundles>
// kernel: kernel.4.cloned.1.call-start
scs
__scs_entry_jumppad:
0x0: {  	(pc) =	sbr.rel $0x88, $3  }
0x1: {  	(tag) =	ssettag $0x0;
	lr =	simm.s32 $0x1  }
0x2: {  	[smem:$0x3F7E] =	sst lr;
	_ =	strace $0xD0000000  }
0x3: {  	_ = 	snop  }
0x4: {  	_ = 	snop  }
0x5: {  	_ = 	snop  }
0x6: {  	_ = 	snop  }
0x7: {  	_ = 	snop  }
__scs_overlays_trampoline_lowered:
0x8: {  	[smem:$0x3F8D] =	sst s0  }
0x9: {  	[smem:$0x3F8E] =	sst s1  }
0xa: {  	[smem:$0x3F8F] =	sst s2  }
0xb: {  	[smem:$0x3F90] =	sst s3  }
0xc: {  	[smem:$0x3F91] =	sst s4  }
0xd: {  	[smem:$0x3F92] =	sst s5  }
0xe: {  	[smem:$0x3F93] =	sst s6  }
0xf: {  	[smem:$0x3F94] =	sst s7  }
0x10: {  	[smem:$0x3F95] =	sst s8  }
0x11: {  	[smem:$0x3F96] =	sst s9;
	s0 =	simm.s32 @!p0 $0x0  }
0x12: {  	s1 =	sld [smem:$0x3F7C];
	s0 =	simm.s32 @p0 $0x1  }
0x13: {  	[smem:$0x3F97] =	sst s0;
	s0 =	simm.s32 @!p1 $0x0  }
0x14: {  	s2 =	sld [smem:$0x3F7B];
	s0 =	simm.s32 @p1 $0x1  }
0x15: {  	[smem:$0x3F98] =	sst s0;
	s0 =	simm.s32 @!p2 $0x0  }
0x16: {  	s3 =	sld [smem:$0x3FDB];
	s0 =	simm.s32 @p2 $0x1  }
0x17: {  	s4 =	simm.s32 $0x1BF5;
	[smem:$0x3F9A] =	sst s0  }
0x18: {  	s0 =	sld [smem:$0x3F7D];
	_ =	swait.ge [sflag:s4], $0x0  }
0x19: {  	s7 =	sld [smem:$0x3F7E]  }
0x1a: {  	s8 =	sadd.s32 $0xFFFFE003, lr  }
0x1b: {  	s9 =	sadd.s32 $0xFFFFFEF7, lr;
	s5 =	simm.s32 $0xFFFFFFFF;
	p2 =	slt.u32 s8, $0xFFFFF086  }
0x1c: {  	p1 =	slt.u32 s9, $0xF7A;
	s5 =	simm.s32 @!p2 $0x0  }
0x1d: {  	s5 =	simm.s32 @p1 $0x1;
	p0 =	seq.s32 s7, s2  }
0x1e: {  	s7 =	smul.u32 @!p0 $0xF7A, s2;
	p2 =	seq.s32 @!p0 s5, $0x0  }
0x1f: {  	s9 =	smul.u32 $0xF7A, s1;
	s8 =	simm.s32 @!p0 $0x1BF5;
	p2 =	por !p2, p0  }
0x20: {  	[sflag:s8] =	ssyncset.s32 @!p0 $0xFFFFF086;
	s6 =	sadd.s32 @!p0 s3, s7;
	s7 =	simm.s32 @!p0 $0x108  }
0x21: {  	s3 =	sadd.s32 s3, s9;
	s6 =	sadd.s32 @!p0 $0x88, s6;
	s7 =	simm.s32 @p2 $0x1082  }
0x22: {  	[simem:s7], [sflag:s8] =	dma.local @!p0 [hbm:s6], $0xF7A  }
0x23: {  	s9 =	sor.u32 $0xD0000000, s2;
	s6 =	simm.s32 $0x108;
	_ =	swait.ge @!p0 [sflag:s8], $0x0  }
0x24: {  	s3 =	sadd.s32 $0x88, s3;
	s6 =	simm.s32 @!p1 $0x1082;
	[sflag:s4] =	ssyncset.s32 $0xFFFFF086  }
0x25: {  	[simem:s6], [sflag:s4] =	dma.local [hbm:s3], $0xF7A  }
0x26: {  	[smem:$0x3F7E] =	sst s1;
	(tag) =	ssettag s2;
	_ =	strace s9  }
0x27: {  	s1 =	sld [smem:$0x3F8E]  }
0x28: {  	s2 =	sld [smem:$0x3F8F]  }
0x29: {  	s4 =	sld [smem:$0x3F91]  }
0x2a: {  	p0 =	seq.s32 s5, $0x0;
	s5 =	sld [smem:$0x3F92]  }
0x2b: {  	s6 =	sld [smem:$0x3F93]  }
0x2c: {  	s7 =	sld [smem:$0x3F94]  }
0x2d: {  	s3 =	simm.s32 $0x108;
	s8 =	sld [smem:$0x3F95]  }
0x2e: {  	s3 =	simm.s32 @!p0 $0x1082;
	s9 =	sld [smem:$0x3F96]  }
0x2f: {  	lr =	sadd.s32 s0, s3;
	s0 =	sld [smem:$0x3F8D]  }
0x30: {  	s3 =	sld [smem:$0x3F90]  }
0x31: {  	[smem:$0x3F99] =	sst s10  }
0x32: {  	s10 =	sld [smem:$0x3F97];
	_ =	sdelay $0x3  }
0x33: {  	p0 =	seq.s32 s10, $0x1;
	s10 =	sld [smem:$0x3F99];
	_ =	sdelay $0x3  }
0x34: {  	[smem:$0x3F99] =	sst s10  }
0x35: {  	s10 =	sld [smem:$0x3F98];
	_ =	sdelay $0x3  }
0x36: {  	p1 =	seq.s32 s10, $0x1;
	s10 =	sld [smem:$0x3F99];
	_ =	sdelay $0x3  }
0x37: {  	[smem:$0x3F99] =	sst s10  }
0x38: {  	s10 =	sld [smem:$0x3F9A]  }
0x39: {  	_ = 	snop;
	(pc) =	sbr.ind lr, $3  }
0x3a: {  	_ = 	snop  }
0x3b: {  	_ = 	snop  }
0x3c: {  	p2 =	seq.s32 s10, $0x1;
	s10 =	sld [smem:$0x3F99]  }
0x3d: {  	_ =	shalt  }
0x3e: {  	_ =	shalt  }
0x3f: {  	_ =	shalt  }
0x40: {  	_ =	shalt  }
0x41: {  	_ =	shalt  }
0x42: {  	_ =	shalt  }
0x43: {  	_ =	shalt  }
0x44: {  	_ =	shalt  }
0x45: {  	_ =	shalt  }
0x46: {  	_ =	shalt  }
0x47: {  	_ =	shalt  }
0x48: {  	_ =	shalt  }
0x49: {  	_ =	shalt  }
0x4a: {  	_ =	shalt  }
0x4b: {  	_ =	shalt  }
0x4c: {  	_ =	shalt  }
0x4d: {  	_ =	shalt  }
0x4e: {  	_ =	shalt  }
0x4f: {  	_ =	shalt  }
0x50: {  	_ =	shalt  }
0x51: {  	_ =	shalt  }
0x52: {  	_ =	shalt  }
0x53: {  	_ =	shalt  }
0x54: {  	_ =	shalt  }
0x55: {  	_ =	shalt  }
0x56: {  	_ =	shalt  }
0x57: {  	_ =	shalt  }
0x58: {  	_ =	shalt  }
0x59: {  	_ =	shalt  }
0x5a: {  	_ =	shalt  }
0x5b: {  	_ =	shalt  }
0x5c: {  	_ =	shalt  }
0x5d: {  	_ =	shalt  }
0x5e: {  	_ =	shalt  }
0x5f: {  	_ =	shalt  }
0x60: {  	_ =	shalt  }
0x61: {  	_ =	shalt  }
0x62: {  	_ =	shalt  }
0x63: {  	_ =	shalt  }
0x64: {  	_ =	shalt  }
0x65: {  	_ =	shalt  }
0x66: {  	_ =	shalt  }
0x67: {  	_ =	shalt  }
0x68: {  	_ =	shalt  }
0x69: {  	_ =	shalt  }
0x6a: {  	_ =	shalt  }
0x6b: {  	_ =	shalt  }
0x6c: {  	_ =	shalt  }
0x6d: {  	_ =	shalt  }
0x6e: {  	_ =	shalt  }
0x6f: {  	_ =	shalt  }
0x70: {  	_ =	shalt  }
0x71: {  	_ =	shalt  }
0x72: {  	_ =	shalt  }
0x73: {  	_ =	shalt  }
0x74: {  	_ =	shalt  }
0x75: {  	_ =	shalt  }
0x76: {  	_ =	shalt  }
0x77: {  	_ =	shalt  }
0x78: {  	_ =	shalt  }
0x79: {  	_ =	shalt  }
0x7a: {  	_ =	shalt  }
0x7b: {  	_ =	shalt  }
0x7c: {  	_ =	shalt  }
0x7d: {  	_ =	shalt  }
0x7e: {  	_ =	shalt  }
0x7f: {  	_ =	shalt  }
0x80: {  	_ =	shalt  }
0x81: {  	_ =	shalt  }
0x82: {  	_ =	shalt  }
0x83: {  	_ =	shalt  }
0x84: {  	_ =	shalt  }
0x85: {  	_ =	shalt  }
0x86: {  	_ =	shalt  }
0x87: {  	_ =	shalt  }
.Lfunc_end0:
.L_simem_size_0:
called_computation.2_lowered:
.L_overlay_start_0:
0x88: {  	s2 =	sld [smem:$0x3FD9]  }
0x89: {  	s3 =	sld [smem:$0x3FFE];
	_ =	sdelay $0x1  }
0x8a: {  	s1 =	srdreg.scid  }
0x8b: {  	s0 =	sand.u32 $0x1, s1  }
0x8c: {  	s17 =	sshll.u32 s0, $0xA;
	s2 =	sadd.s32 s3, s2  }
0x8d: {  	s2 =	sadd.s32 s2, s17  }
0x8e: {  	[smem:$0x3FA5] =	sst s2  }
0x8f: {  	_ = 	snop  }
0x90: {  	s2 =	sld [smem:$0x3FC9]  }
0x91: {  	s18 =	sld [smem:$0x3FC8];
	(tm) =	ssettm $0x1  }
0x92: {  	s4 =	sld [smem:$0x3FFB];
	_ =	sdelay $0x3  }
0x93: {  	_ =	strace s4  }
0x94: {  	s4 =	sld [smem:$0x3FFC];
	_ =	sdelay $0x3  }
0x95: {  	_ =	strace s4  }
0x96: {  	s4 =	sld [smem:$0x3FFD];
	_ =	sdelay $0x3  }
0x97: {  	_ =	strace s4  }
0x98: {  	_ =	strace $0x8FFFFFFF  }
0x99: {  	s19 =	sld [smem:$0x3FDB];
	_ =	sdelay $0x1  }
0x9a: {  	s5 =	simm.s32 $_scs_section_size  }
0x9b: {  	s6 =	simm.s32 $_size__tile_overlayer_lowered;
	s7 =	simm.s32 $_tile_overlayer_lowered  }
0x9c: {  	s22 =	simm.s32 $0x1BFF;
	s21 =	sshll.u32 s7, $0x1;
	s4 =	sadd.s32 s5, s19  }
0x9d: {  	s8 =	simm.s32 $0x0;
	s20 =	sshll.u32 s6, $0x1;
	s6 =	sadd.s32 s21, s4  }
0x9e: {  	[timem:s8], [sflag:s22] =	dma.local [hbm:s6], s20  }
0x9f: {  	_ =	swait.ge [sflag:s22], s20  }
0xa0: {  	s5 =	ssub.s32 $0x0, s20;
	[sflag:s22] =	ssyncset.done $0x0  }
0xa1: {  	[sflag:s22] =	ssyncadd.s32 s5;
	_ =	sdelay $0x1  }
0xa2: {  	s23 =	simm.s32 $0x1B8B  }
0xa3: {  	_ =	swait.ge [sflag:s23], $0x1  }
0xa4: {  	[sflag:s23] =	ssyncset.done $0x0  }
0xa5: {  	s25 =	simm.s32 $0x1B8E;
	s24 =	sld [smem:$0x3FFE];
	[sflag:s23] =	ssyncadd.s32 $0xFFFFFFFF  }
0xa6: {  	s26 =	simm.s32 $execute0_lowered;
	[smem:$0x3FD2] =	sst s25  }
0xa7: {  	s6 =	sshll.u32 s26, $0x1;
	_ =	strace $0x8000004C;
	[dreg:$0x1] =	wrdreg $0xFFFFFFFF  }
0xa8: {  	s28 =	simm.s32 $_size_execute0_lowered;
	s4 =	sadd.s32 s4, s6;
	[dreg:$0x0] =	wrdreg $0x0  }
0xa9: {  	s6 =	sshll.u32 s28, $0x1;
	[dreg:$0x2] =	wrdreg s4  }
0xaa: {  	[dreg:$0x3] =	wrdreg s6  }
0xab: {  	[dreg:$0x4] =	wrdreg $0xC0  }
0xac: {  	_ =	task [dreg:s8], $0x5FFFF  }
0xad: {  	[dreg:$0x1] =	wrdreg $0xFFFFFFFF  }
0xae: {  	[dreg:$0x0] =	wrdreg $0x60  }
0xaf: {  	[dreg:$0x2] =	wrdreg s24  }
0xb0: {  	[dreg:$0x3] =	wrdreg s18  }
0xb1: {  	[dreg:$0x4] =	wrdreg s2  }
0xb2: {  	[dreg:$0x5] =	wrdreg $0x9  }
0xb3: {  	_ =	task.clear_ibuf [dreg:s8], $0x6FFFF;
	_ =	strace $0x9000004C  }
0xb4: {  	s29 =	simm.s32 $0x9;
	_ =	strace $0x8000004E  }
0xb5: {  	_ =	swait.ge [sflag:s29], $0x1  }
0xb6: {  	[sflag:s29] =	ssyncadd.s32 $0xFFFFFFFF  }
0xb7: {  	_ =	strace $0x9000004E  }
0xb8: {  	_ =	sfence  }
0xb9: {  	s30 =	sld [smem:$0x0];
	_ =	sdelay $0x2  }
0xba: {  	s31 =	sshll.u32 s1, $0xD;
	s1 =	sshrl.u32 s1, $0x2  }
0xbb: {  	s3 =	sand.u32 $0x4000, s31;
	s1 =	sadd.s32 s1, s30  }
0xbc: {  	s0 =	sor.u32 s3, s0;
	s1 =	sshll.u32 s1, $0x11  }
0xbd: {  	s0 =	sor.u32 s1, s0  }
0xbe: {  	s0 =	sadd.s32 $0x8F2B, s0  }
0xbf: {  	[sflag:s0] =	ssyncadd.remote.s32 $0x1  }
0xc0: {  	_ =	sfence.sel $0xFFFF  }
0xc1: {  	[dreg:$0x0] =	wrdreg $0xFFFFFFFF;
	(pc) =	sbr.abs _section_cstart, $3  }
0xc2: {  	[dreg:$0x1] =	wrdreg $0xFFFFFFFF  }
0xc3: {  	_ =	task.clear_ibuf [dreg:s8], $0x2FFFF;
	_ =	strace $0x9FFFFFFF  }
0xc4: {  	(tm) =	ssettm $0x7FFFFFFF  }
0xc5: {  	_ =	shalt  }
tec
execute0_lowered:
.L_overlay_start_1:
0x0: {  	(tag) =	ssettag $0x1  }
0x1: {  	s5 =	rddreg [dreg:$0x0]  }
0x2: {  	s1 =	rddreg [dreg:$0x1]  }
0x3: {  	s2 =	rddreg [dreg:$0x2]  }
0x4: {  	s0 =	rddreg [dreg:$0x3]  }
0x5: {  	s3 =	simm.s32 $0x0;
	s6 =	srdreg.scid;
	s12 =	simm.s32 $0x40  }
0x6: {  	s13 =	simm.s32 $0x1;
	s14 =	simm.s32 $0x0;
	[smem:$0x7FF] =	sst s3  }
0x7: {  	s4 =	sadd.s32 $0x6A00, s5;
	s9 =	sand.u32 $0x1, s6;
	s6 =	sadd.s32 $0x1E8B200, s5  }
0x8: {  	s7 =	sadd.s32 $0x3E7400, s5;
	s8 =	sadd.s32 $0x3D7400, s5;
	s10 =	ssub.s32 $0x2, s9  }
0x9: {  	s5 =	stileid.u32;
	_ =	strace $0x8000004D;
	s11 =	sshrl.u32 s10, $0x1  }
0xa: {  	s31 =	sshll.u32 s5, $0xA;
	s9 =	sshll.u32 s9, $0x9;
	s10 =	ssub.s32 s10, s11  }
0xb: {  	s9 =	sor.u32 s9, s31;
	s11 =	simm.s32 $0x2;
	s10 =	smax.u32 s10, $0x1  }
.LBB2_1:
0xc: {  	s15 =	simm.s32 $0x0  }
.LBB2_2:
0xd: {  	s16 =	sshll.u32 s15, $0x6  }
0xe: {  	s17 =	sadd.s32 s9, s16  }
0xf: {  	s16 =	sshrl.u32 s17, $0x3  }
0x10: {  	s19 =	simm.s32 $0x0;
	s18 =	sadd.s32 s1, s16  }
0x11: {  	[tilespmem:s19], [sflag:$0x2] =	stream.linear.gather [hbm4b:s18+s19], $0x40, $0x38;
	[tilespmem:$0x2080] =	vst v63  }
0x12: {  	_ =	swait.ge [sflag:s11], $0x40  }
0x13: {  	[sflag:s11] =	ssyncset.done $0x0  }
0x14: {  	[sflag:s11] =	ssyncadd.s32 $0xFFFFFFC0  }
0x15: {  	v0 =	vld [tilespmem:$0x0]  }
0x16: {  	v1 =	vld [tilespmem:$0x10]  }
0x17: {  	v2 =	vld [tilespmem:$0x20]  }
0x18: {  	v3 =	vld [tilespmem:$0x30];
	_ =	sdelay $0x1  }
0x19: {  	v0 =	vshrl.u32 v0, $0x2  }
0x1a: {  	v61 =	vshrl.u32 v1, $0x2;
	[tilespmem:$0x40] =	vst v0  }
0x1b: {  	v62 =	vshrl.u32 v2, $0x2;
	[tilespmem:$0x50] =	vst v61  }
0x1c: {  	v63 =	vshrl.u32 v3, $0x2;
	[tilespmem:$0x60] =	vst v62  }
0x1d: {  	s18 =	simm.s32 $0x80;
	[tilespmem:$0x70] =	vst v63  }
0x1e: {  	[tilespmem:s18], [sflag:$0x1] =	stream.indirect.gather [hbm4b:s4+s12], $0x80, s12, s12, $0xb8;
	[tilespmem:$0x2080] =	vst v63  }
0x1f: {  	s17 =	sshll.u32 s17, $0x2;
	_ =	swait.ge [sflag:s13], $0x2000  }
0x20: {  	s20 =	simm.s32 $0x4;
	s19 =	sadd.s32 s7, s17;
	[sflag:s13] =	ssyncset.done $0x0  }
0x21: {  	s21 =	simm.s32 $0x100;
	s22 =	sadd.s32 $0x0, s19;
	[sflag:s13] =	ssyncadd.s32 $0xFFFFE000  }
.LBB2_3:
0x22: {  	[hbm4b:s22+s3] =	stream.linear.scatter [tilespmem:s18], [sflag:$0x2], $0x20, $0x38;
	[tilespmem:$0x2080] =	vst v63  }
0x23: {  	s22 =	smov.u32 s20;
	s18 =	smov.u32 s21;
	p0 =	sne.s32 s20, $0xFC  }
.Ltmp0:
0x24: {  	s20 =	sadd.s32 $0x4, s20;
	(pc) =	sbr.rel @p0 .LBB2_3-.Ltmp0, $2  }
0x25: {  	_ =	sdelay $0x2  }
0x26: {  	s21 =	sadd.s32 $0x80, s21;
	s22 =	sadd.s32 s22, s19  }
0x27: {  	[hbm4b:s22+s3] =	stream.linear.scatter [tilespmem:s18], [sflag:$0x2], $0x20, $0x38;
	[tilespmem:$0x2080] =	vst v63  }
0x28: {  	_ =	swait.ge [sflag:s11], $0x800  }
0x29: {  	[sflag:s11] =	ssyncset.done $0x0  }
0x2a: {  	s16 =	sadd.s32 s2, s16;
	s31 =	simm.s32 $0x0;
	[sflag:s11] =	ssyncadd.s32 $0xFFFFF800  }
0x2b: {  	[tilespmem:s31], [sflag:$0x2] =	stream.linear.gather [hbm4b:s16+s31], $0x40, $0x38;
	[tilespmem:$0x2080] =	vst v63  }
0x2c: {  	_ =	swait.ge [sflag:s11], $0x40  }
0x2d: {  	[sflag:s11] =	ssyncset.done $0x0  }
0x2e: {  	[sflag:s11] =	ssyncadd.s32 $0xFFFFFFC0  }
0x2f: {  	v0 =	vld [tilespmem:$0x0]  }
0x30: {  	v1 =	vld [tilespmem:$0x10]  }
0x31: {  	v2 =	vld [tilespmem:$0x20]  }
0x32: {  	v3 =	vld [tilespmem:$0x30];
	_ =	sdelay $0x1  }
0x33: {  	v0 =	vshrl.u32 v0, $0x2  }
0x34: {  	v61 =	vshrl.u32 v1, $0x2;
	[tilespmem:$0x40] =	vst v0  }
0x35: {  	v62 =	vshrl.u32 v2, $0x2;
	[tilespmem:$0x50] =	vst v61  }
0x36: {  	v63 =	vshrl.u32 v3, $0x2;
	[tilespmem:$0x60] =	vst v62  }
0x37: {  	s16 =	simm.s32 $0x80;
	[tilespmem:$0x70] =	vst v63  }
0x38: {  	[tilespmem:s16], [sflag:$0x1] =	stream.indirect.gather [hbm4b:s6+s12], $0x80, s12, s12, $0xb8;
	[tilespmem:$0x2080] =	vst v63  }
0x39: {  	_ =	swait.ge [sflag:s13], $0x2000  }
0x3a: {  	s17 =	sadd.s32 s8, s17;
	s18 =	simm.s32 $0x4;
	[sflag:s13] =	ssyncset.done $0x0  }
0x3b: {  	s19 =	simm.s32 $0x100;
	s20 =	sadd.s32 $0x0, s17;
	[sflag:s13] =	ssyncadd.s32 $0xFFFFE000  }
.LBB2_5:
0x3c: {  	[hbm4b:s20+s3] =	stream.linear.scatter [tilespmem:s16], [sflag:$0x2], $0x20, $0x38;
	[tilespmem:$0x2080] =	vst v63  }
0x3d: {  	s20 =	smov.u32 s18;
	s16 =	smov.u32 s19;
	p0 =	sne.s32 s18, $0xFC  }
.Ltmp1:
0x3e: {  	s18 =	sadd.s32 $0x4, s18;
	(pc) =	sbr.rel @p0 .LBB2_5-.Ltmp1, $2  }
0x3f: {  	_ =	sdelay $0x2  }
0x40: {  	s19 =	sadd.s32 $0x80, s19;
	s20 =	sadd.s32 s20, s17  }
0x41: {  	s15 =	sadd.s32 $0x1, s15  }
0x42: {  	p0 =	sne.s32 s15, $0x8  }
.Ltmp2:
0x43: {  	_ = 	snop;
	(pc) =	sbr.rel @p0 .LBB2_2-.Ltmp2, $4  }
0x44: {  	[hbm4b:s20+s3] =	stream.linear.scatter [tilespmem:s16], [sflag:$0x2], $0x20, $0x38;
	[tilespmem:$0x2080] =	vst v63  }
0x45: {  	_ =	swait.ge [sflag:s11], $0x800  }
0x46: {  	[sflag:s11] =	ssyncset.done $0x0  }
0x47: {  	[sflag:s11] =	ssyncadd.s32 $0xFFFFF800  }
0x48: {  	s14 =	sadd.s32 $0x1, s14  }
0x49: {  	p0 =	sne.s32 s14, s10  }
.Ltmp3:
0x4a: {  	_ = 	snop;
	(pc) =	sbr.rel @p0 .LBB2_1-.Ltmp3, $1  }
0x4b: {  	_ =	sdelay $0x3  }
0x4c: {  	_ =	sfence.sel $0x180000  }
0x4d: {  	[bflag:$0x0] =	sbarrier.arrive $0xFFFF  }
0x4e: {  	p0 =	sne.s32 s5, $0x0;
	_ =	strace $0x9000004D  }
0x4f: {  	s0 =	sadd.s32 @!p0 $0x100000, s0;
	[bflag:$0x2] =	sbarrier.arrive $0xFFFF  }
0x50: {  	[sflag:s0] =	ssyncadd.tile.s32 @!p0 $0x1;
	_ =	shalt  }
.Lfunc_end2:
_tile_overlayer_lowered:
.L_overlay_start_2:
0x51: {  	(tag) =	ssettag $0x2  }
0x52: {  	s0 =	rddreg [dreg:$0x0];
	s2 =	stileid.u32  }
0x53: {  	s1 =	rddreg [dreg:$0x1];
	p0 =	sne.s32 s2, $0x0  }
0x54: {  	s3 =	rddreg [dreg:$0x2];
	[bflag:$0x3] =	sbarrier.arrive $0xFFFF;
	s2 =	simm.s32 @!p0 $0x1C02  }
0x55: {  	[timem:s3], [sflag:s2] =	dma.local @!p0 [hbm:s0], s1  }
0x56: {  	s0 =	simm.s32 @!p0 $0x2  }
0x57: {  	_ =	swait.ge @!p0 [sflag:s0], s1  }
0x58: {  	s1 =	ssub.s32 @!p0 $0x0, s1;
	[sflag:s0] =	ssyncset.done @!p0 $0x0  }
0x59: {  	[sflag:s0] =	ssyncadd.s32 @!p0 s1  }
0x5a: {  	[bflag:$0x3] =	sbarrier.arrive $0xFFFF  }
0x5b: {  	_ =	shalt  }

// kernel: sparse-core-data-format-call.1.cloned.1.call-start
scs
called_computation.1_lowered:
.L_overlay_start_0:
0x0: {  	s2 =	sld [smem:$0x3FD9]  }
0x1: {  	s3 =	sld [smem:$0x3FFE];
	_ =	sdelay $0x1  }
0x2: {  	s1 =	srdreg.scid  }
0x3: {  	s0 =	sand.u32 $0x1, s1  }
0x4: {  	s18 =	sshll.u32 s0, $0xA;
	s2 =	sadd.s32 s3, s2  }
0x5: {  	s2 =	sadd.s32 s2, s18  }
0x6: {  	[smem:$0x3FA5] =	sst s2  }
0x7: {  	_ = 	snop  }
0x8: {  	s19 =	sld [smem:$0x3FB8];
	(tm) =	ssettm $0x1  }
0x9: {  	s20 =	sld [smem:$0x3FFB];
	_ =	sdelay $0x3  }
0xa: {  	_ =	strace s20  }
0xb: {  	s2 =	sld [smem:$0x3FFC];
	_ =	sdelay $0x3  }
0xc: {  	_ =	strace s2  }
0xd: {  	s2 =	sld [smem:$0x3FFD];
	_ =	sdelay $0x3  }
0xe: {  	_ =	strace s2  }
0xf: {  	_ =	strace $0x8FFFFFFF  }
0x10: {  	s21 =	sld [smem:$0x3FDB];
	_ =	sdelay $0x1  }
0x11: {  	s4 =	simm.s32 $_scs_section_size  }
0x12: {  	s5 =	simm.s32 $_size__tile_overlayer_lowered;
	s6 =	simm.s32 $_tile_overlayer_lowered  }
0x13: {  	s7 =	simm.s32 $0x1BFF;
	s22 =	sshll.u32 s6, $0x1;
	s4 =	sadd.s32 s4, s21  }
0x14: {  	s23 =	simm.s32 $0x0;
	s5 =	sshll.u32 s5, $0x1;
	s6 =	sadd.s32 s22, s4  }
0x15: {  	[timem:s23], [sflag:s7] =	dma.local [hbm:s6], s5  }
0x16: {  	_ =	swait.ge [sflag:s7], s5  }
0x17: {  	s5 =	ssub.s32 $0x0, s5;
	[sflag:s7] =	ssyncset.done $0x0  }
0x18: {  	[sflag:s7] =	ssyncadd.s32 s5;
	_ =	sdelay $0x1  }
0x19: {  	s24 =	simm.s32 $0x1B8B  }
0x1a: {  	_ =	swait.ge [sflag:s24], $0x1  }
0x1b: {  	[sflag:s24] =	ssyncset.done $0x0  }
0x1c: {  	[sflag:s24] =	ssyncadd.s32 $0xFFFFFFFF  }
0x1d: {  	s5 =	sld [smem:$0x0]  }
0x1e: {  	s6 =	sand.u32 $0xFFFFFFFE, s1  }
0x1f: {  	p0 =	sne.s32 s1, s6  }
0x20: {  	s6 =	sshll.u32 @p0 s6, $0xE  }
0x21: {  	s6 =	sadd.s32 @p0 $0x11B8D, s6;
	s7 =	sshll.u32 @p0 s5, $0x11  }
0x22: {  	s6 =	sor.u32 @p0 s7, s6  }
0x23: {  	[sflag:s6] =	ssyncadd.remote.s32 @p0 $0x1;
	_ =	sdelay $0x1  }
0x24: {  	s6 =	simm.s32 @p0 $0x1B8D  }
0x25: {  	_ =	swait.eq @p0 [sflag:s6], $0x1  }
0x26: {  	[sflag:s6] =	ssyncadd.s32 @p0 $0xFFFFFFFF  }
0x27: {  	s7 =	sshll.u32 @!p0 s1, $0xE  }
0x28: {  	s7 =	sor.u32 @!p0 $0x4000, s7;
	s6 =	simm.s32 @!p0 $0x1B8D  }
0x29: {  	s5 =	sshll.u32 @!p0 s5, $0x11;
	s7 =	sadd.s32 @!p0 $0x11B8D, s7;
	_ =	swait.eq @!p0 [sflag:s6], $0x1  }
0x2a: {  	s5 =	sor.u32 @!p0 s5, s7;
	[sflag:s6] =	ssyncadd.s32 @!p0 $0xFFFFFFFF  }
0x2b: {  	s26 =	simm.s32 $0x1B8E;
	s25 =	sld [smem:$0x3FFE];
	[sflag:s5] =	ssyncadd.remote.s32 @!p0 $0x1  }
0x2c: {  	s27 =	simm.s32 $execute0_lowered;
	[smem:$0x3FD2] =	sst s26  }
0x2d: {  	s6 =	sshll.u32 s27, $0x1;
	_ =	strace $0x80000049;
	[dreg:$0x1] =	wrdreg $0xFFFFFFFF  }
0x2e: {  	s28 =	simm.s32 $_size_execute0_lowered;
	s4 =	sadd.s32 s4, s6;
	[dreg:$0x0] =	wrdreg $0x0  }
0x2f: {  	s6 =	sshll.u32 s28, $0x1;
	[dreg:$0x2] =	wrdreg s4  }
0x30: {  	[dreg:$0x3] =	wrdreg s6  }
0x31: {  	[dreg:$0x4] =	wrdreg $0xC0  }
0x32: {  	_ =	task [dreg:s23], $0x5FFFF  }
0x33: {  	[dreg:$0x1] =	wrdreg $0xFFFFFFFF  }
0x34: {  	[dreg:$0x0] =	wrdreg $0x60  }
0x35: {  	[dreg:$0x2] =	wrdreg s19  }
0x36: {  	[dreg:$0x3] =	wrdreg s25  }
0x37: {  	[dreg:$0x4] =	wrdreg $0xA  }
0x38: {  	_ =	task.clear_ibuf [dreg:s23], $0x5FFFF;
	_ =	strace $0x90000049  }
0x39: {  	s29 =	simm.s32 $0xA;
	_ =	strace $0x8000004B  }
0x3a: {  	_ =	swait.ge [sflag:s29], $0x1  }
0x3b: {  	[sflag:s29] =	ssyncadd.s32 $0xFFFFFFFF  }
0x3c: {  	_ =	strace $0x9000004B  }
0x3d: {  	_ =	sfence  }
0x3e: {  	s30 =	sld [smem:$0x0];
	_ =	sdelay $0x2  }
0x3f: {  	s31 =	sshll.u32 s1, $0xD;
	s1 =	sshrl.u32 s1, $0x2  }
0x40: {  	s4 =	sand.u32 $0x4000, s31;
	s1 =	sadd.s32 s1, s30  }
0x41: {  	s0 =	sor.u32 s4, s0;
	s1 =	sshll.u32 s1, $0x11  }
0x42: {  	s0 =	sor.u32 s1, s0  }
0x43: {  	s0 =	sadd.s32 $0x8F2B, s0  }
0x44: {  	[sflag:s0] =	ssyncadd.remote.s32 $0x1  }
0x45: {  	_ =	sfence.sel $0xFFFF  }
0x46: {  	[dreg:$0x0] =	wrdreg $0xFFFFFFFF;
	(pc) =	sbr.abs _section_cstart, $3  }
0x47: {  	[dreg:$0x1] =	wrdreg $0xFFFFFFFF  }
0x48: {  	_ =	task.clear_ibuf [dreg:s23], $0x2FFFF;
	_ =	strace $0x9FFFFFFF  }
0x49: {  	(tm) =	ssettm $0x7FFFFFFF  }
tec
execute0_lowered:
.L_overlay_start_1:
0x0: {  	(tag) =	ssettag $0x1  }
0x1: {  	s0 =	srdreg.scid;
	s2 =	rddreg [dreg:$0x0]  }
0x2: {  	s5 =	rddreg [dreg:$0x1];
	s1 =	stileid.u32  }
0x3: {  	s4 =	simm.s32 $0x1;
	s6 =	simm.s32 $0x2;
	s15 =	simm.s32 $0x0  }
0x4: {  	p0 =	por $0x0, $0x0;
	s8 =	simm.s32 $0x80;
	s0 =	sshll.u32 s0, $0x4  }
0x5: {  	s14 =	simm.s32 $0x0;
	s9 =	simm.s32 $0x0;
	s3 =	sand.u32 $0x10, s0  }
.Ltmp0:
0x6: {  	s10 =	simm.s32 $0x0;
	s3 =	sor.u32 s1, s3;
	(pc) =	sbr.rel .LBB1_1-.Ltmp0, $4  }
0x7: {  	s0 =	rddreg [dreg:$0x2];
	_ =	strace $0x8000004A;
	s3 =	sshll.u32 s3, $0x7  }
0x8: {  	s12 =	simm.s32 $0x0;
	[sflag:s4] =	ssyncpa.u1 $0x0;
	s7 =	ssub.s32 $0xF4200, s3  }
0x9: {  	s13 =	simm.s32 $0x0;
	[sflag:s6] =	ssyncpa.u1 $0x0;
	s6 =	sshrl.u32 s7, $0xC  }
0xa: {  	s5 =	sadd.s32 $0xF48E00, s5;
	s11 =	smov.u32 s3;
	s7 =	sadd.s32 $0x2, s6  }
.LBB1_5:
0xb: {  	p1 =	slt.u32 s13, $0x2  }
0xc: {  	s17 =	smov.u32 s15;
	p2 =	sgt.s32 @!p1 s15, $0xF41C0;
	s16 =	sshra.s32 @!p1 s15, $0x1F  }
0xd: {  	p3 =	sgt.s32 @!p1 s14, $0x60;
	s18 =	sshra.s32 @!p1 s14, $0x1F;
	p2 =	por !p2, p1  }
0xe: {  	s15 =	sand.u32 @!p1 s16, s15;
	p3 =	por !p3, p1;
	s16 =	smov.u32 s14  }
0xf: {  	s14 =	sand.u32 @!p1 s18, s14;
	s17 =	simm.s32 @p2 $0xF41C0;
	s16 =	simm.s32 @p3 $0x60  }
0x10: {  	s15 =	ssub.s32 @!p1 s17, s15;
	s14 =	ssub.s32 @!p1 s16, s14  }
0x11: {  	s18 =	smov.u32 s12;
	s16 =	sadd.s32 @!p1 $0xFFF0BE40, s15;
	s17 =	sadd.s32 @!p1 $0xFFFFFFA0, s14  }
0x12: {  	s15 =	ssub.s32 @!p1 $0xF4240, s15;
	p2 =	sgt.s32 @!p1 s16, $0x7F;
	p3 =	sgt.s32 @!p1 s17, $0x1F  }
0x13: {  	s14 =	ssub.s32 @!p1 $0x80, s14;
	p2 =	por !p2, p1;
	p3 =	por !p3, p1  }
0x14: {  	s16 =	sadd.s32 $0x1000, s11;
	s15 =	simm.s32 @!p2 $0x0;
	s14 =	simm.s32 @!p3 $0x0  }
0x15: {  	p2 =	sgt.s32 s16, $0xF423F;
	s14 =	smul.u32 @!p1 s14, s15;
	s15 =	sadd.s32 $0x20, s12  }
0x16: {  	s18 =	smov.u32 @p2 s15  }
0x17: {  	s16 =	smov.u32 @p2 s3;
	p2 =	sgt.s32 s18, $0x1F  }
0x18: {  	s18 =	simm.s32 @p2 $0x0;
	p2 =	sne.s32 s13, s7  }
.Ltmp1:
0x19: {  	p0 =	por !p0, !p0;
	s17 =	simm.s32 @!p1 $0x2;
	(pc) =	sbr.rel @!p2 .LBB1_6-.Ltmp1, $4  }
0x1a: {  	s15 =	smov.u32 s9;
	s9 =	smov.u32 s11;
	s14 =	sand.u32 @!p1 $0x3FFFFFFF, s14  }
0x1b: {  	s11 =	smov.u32 s16;
	_ =	swait.ge @!p1 [sflag:s17], s14;
	s19 =	ssub.s32 @!p1 $0x0, s14  }
0x1c: {  	s14 =	smov.u32 s10;
	s13 =	sadd.s32 $0x1, s13;
	[sflag:s17] =	ssyncset.done @!p1 $0x0  }
0x1d: {  	s10 =	smov.u32 s12;
	s12 =	smov.u32 s18;
	[sflag:s17] =	ssyncadd.s32 @!p1 s19  }
.LBB1_1:
0x1e: {  	p1 =	sgt.u32 s13, s6  }
0x1f: {  	s16 =	sshrl.u32 @!p1 s12, $0x3  }
0x20: {  	s17 =	sshll.u32 @!p1 s11, $0x3;
	s16 =	smul.u32 @!p1 $0x7A1400, s16  }
0x21: {  	s18 =	sshll.u32 @!p1 s12, $0x7;
	s17 =	sand.u32 @!p1 $0xFFFFFC00, s17  }
0x22: {  	s16 =	sadd.s32 @!p1 s16, s17;
	s17 =	sand.u32 @!p1 $0x380, s18  }
0x23: {  	s18 =	sand.u32 @!p1 $0x7F, s11;
	s16 =	sor.u32 @!p1 s17, s16  }
0x24: {  	s17 =	sor.u32 @!p1 s18, s16  }
0x25: {  	s18 =	smulhi.u32 @!p1 $0x218D6287, s17;
	_ =	sdelay $0x1  }
0x26: {  	s16 =	smulhi.u32 @!p1 $0x218D6287, s16;
	s18 =	sshrl.u32 @!p1 s18, $0x11  }
0x27: {  	s18 =	smul.u32 @!p1 $0xF4280, s18  }
0x28: {  	s19 =	sxor.u32 @!p1 $0xFFFFFFFF, s13;
	s16 =	sshrl.u32 @!p1 s16, $0x11  }
0x29: {  	s19 =	sshll.u32 @!p1 s19, $0xC;
	s16 =	sand.u32 @!p1 $0x1F, s16;
	s17 =	ssub.s32 @!p1 s17, s18  }
0x2a: {  	s16 =	smul.u32 @!p1 $0x1E850, s16;
	s18 =	sshrl.u32 @!p1 s17, $0x3;
	s17 =	sand.u32 @!p1 $0x7, s17  }
0x2b: {  	s19 =	sand.u32 @!p1 $0x1000, s19;
	s18 =	sadd.s32 @!p1 s2, s18;
	s17 =	sshll.u32 @!p1 s17, $0x12  }
0x2c: {  	s16 =	sadd.s32 @!p1 s16, s18;
	s17 =	sor.u32 @!p1 $0x400, s17;
	s18 =	simm.s32 @!p1 $0x7A1400  }
0x2d: {  	[tilespmem:s19], [sflag:$0x1] =	stream.strided.gather @!p1 [hbm4b:s16+s17], $0x1000, s18, s17, $0x38;
	[tilespmem:$0x4100] =	vst v63  }
0x2e: {  	p1 =	seq.s32 s13, $0x0  }
0x2f: {  	p2 =	sge.u32 @!p1 s13, s7  }
0x30: {  	p1 =	por p1, p2  }
.Ltmp2:
0x31: {  	_ = 	snop;
	(pc) =	sbr.rel @p1 .LBB1_5-.Ltmp2, $1  }
0x32: {  	_ =	sdelay $0x3  }
0x33: {  	s16 =	simm.s32 $0x1  }
0x34: {  	_ =	swait.ge [sflag:s4], $0x1000;
	s16 =	simm.s32 @!p0 $0x0  }
0x35: {  	[sflag:s4] =	ssyncset.done $0x0;
	s17 =	sshll.u32 s16, $0xC  }
0x36: {  	[sflag:s4] =	ssyncadd.s32 $0xFFFFF000;
	s17 =	sor.u32 $0x40, s17  }
0x37: {  	s16 =	smul.u32 $0x4200, s16;
	v0 =	vld [tilespmem:s17+$0x30]  }
0x38: {  	v1 =	vld [tilespmem:s17+$0xFFFFFFD0]  }
0x39: {  	s16 =	sshrl.u32 s16, $0x2;
	v5 =	vld [tilespmem:s17+$0xFFFFFFE0]  }
0x3a: {  	v6 =	vld [tilespmem:s17+$0xFFFFFFF0];
	s19 =	sor.u32 $0x2000, s16  }
0x3b: {  	s31 =	sand.u32 $0x1, s13;
	v4 =	vld [tilespmem:s17+$0x0];
	s18 =	sadd.s32 $0x0, s19  }
0x3c: {  	v3 =	vld [tilespmem:s17+$0x10];
	s16 =	smul.u32 $0x4200, s31;
	[tilespmem:s18+$0xE70 ss:$0x21] =	vst.msk $0xffff, v0  }
0x3d: {  	v2 =	vld [tilespmem:s17+$0x20];
	[tilespmem:s18+$0x210 ss:$0x21] =	vst.msk $0xffff, v1  }
0x3e: {  	s16 =	sshrl.u32 s16, $0x2;
	v1 =	vld [tilespmem:s17+$0xFFFFFFC0];
	[tilespmem:s18+$0x420 ss:$0x21] =	vst.msk $0xffff, v5;
	s17 =	sadd.s32 $0x80, s17  }
0x3f: {  	s20 =	simm.s32 $0x4;
	s21 =	simm.s32 $0x8;
	s16 =	sor.u32 $0x2000, s16;
	[tilespmem:s18+$0x630 ss:$0x21] =	vst.msk $0xffff, v6;
	v0 =	vld [tilespmem:s17+$0x30]  }
.LBB1_3:
0x40: {  	p1 =	sne.s32 s21, $0x7C;
	v5 =	vld [tilespmem:s17+$0xFFFFFFD0];
	[tilespmem:s18+$0x840 ss:$0x21] =	vst.msk $0xffff, v4  }
0x41: {  	v6 =	vld [tilespmem:s17+$0xFFFFFFE0];
	[tilespmem:s18+$0xA50 ss:$0x21] =	vst.msk $0xffff, v3  }
0x42: {  	s22 =	sshra.s32 s20, $0x2;
	s20 =	smov.u32 s21;
	v7 =	vld [tilespmem:s17+$0xFFFFFFF0];
	[tilespmem:s18+$0xC60 ss:$0x21] =	vst.msk $0xffff, v2  }
.Ltmp3:
0x43: {  	v4 =	vld [tilespmem:s17+$0x0];
	[tilespmem:s18+$0x0 ss:$0x21] =	vst.msk $0xffff, v1;
	s18 =	sadd.s32 s22, s19;
	(pc) =	sbr.rel @p1 .LBB1_3-.Ltmp3, $4  }
0x44: {  	v3 =	vld [tilespmem:s17+$0x10];
	[tilespmem:s18+$0xE70 ss:$0x21] =	vst.msk $0xffff, v0  }
0x45: {  	[tilespmem:s18+$0x210 ss:$0x21] =	vst.msk $0xffff, v5;
	v2 =	vld [tilespmem:s17+$0x20]  }
0x46: {  	v1 =	vld [tilespmem:s17+$0xFFFFFFC0];
	[tilespmem:s18+$0x420 ss:$0x21] =	vst.msk $0xffff, v6;
	s17 =	sadd.s32 $0x80, s17  }
0x47: {  	s21 =	sadd.s32 $0x4, s21;
	v0 =	vld [tilespmem:s17+$0x30];
	[tilespmem:s18+$0x630 ss:$0x21] =	vst.msk $0xffff, v7  }
0x48: {  	s21 =	sshll.u32 s9, $0x7;
	s22 =	sshll.u32 s10, $0x3;
	s20 =	sshra.s32 s20, $0x2  }
0x49: {  	p1 =	sgt.s32 s9, $0xF41C0;
	s30 =	sshra.s32 s9, $0x1F;
	s25 =	sshra.s32 s10, $0x1F  }
0x4a: {  	v5 =	vld [tilespmem:s17+$0xFFFFFFD0];
	s28 =	sshrl.u32 s10, $0x3;
	s23 =	sand.u32 $0xFFFFFC00, s21;
	s22 =	sand.u32 $0xFFFFFC00, s22  }
0x4b: {  	[tilespmem:s18+$0x840 ss:$0x21] =	vst.msk $0xffff, v4;
	v58 =	vld [tilespmem:s17+$0xFFFFFFE0];
	s21 =	sand.u32 $0x380, s21;
	s19 =	sadd.s32 s20, s19;
	s22 =	sadd.s32 s22, s23  }
0x4c: {  	v59 =	vld [tilespmem:s17+$0xFFFFFFF0];
	[tilespmem:s18+$0xA50 ss:$0x21] =	vst.msk $0xffff, v3;
	s29 =	sor.u32 s21, s22;
	s21 =	smov.u32 s9;
	s22 =	sand.u32 s30, s9  }
0x4d: {  	v60 =	vld [tilespmem:s17+$0x0];
	[tilespmem:s18+$0xC60 ss:$0x21] =	vst.msk $0xffff, v2;
	s30 =	sand.u32 $0x7, s10;
	s20 =	sshrl.u32 s29, $0x7;
	s21 =	simm.s32 @!p1 $0xF41C0  }
0x4e: {  	v61 =	vld [tilespmem:s17+$0x10];
	[tilespmem:s18+$0x0 ss:$0x21] =	vst.msk $0xffff, v1;
	p1 =	sgt.s32 s10, $0x60;
	s24 =	ssub.s32 s21, s22;
	s21 =	smov.u32 s10  }
0x4f: {  	v62 =	vld [tilespmem:s17+$0x20];
	[tilespmem:s19+$0xE70 ss:$0x21] =	vst.msk $0xffff, v0;
	s31 =	smulhi.u32 $0x218DEF5, s20;
	s22 =	sand.u32 s25, s10;
	s21 =	simm.s32 @!p1 $0x60  }
0x50: {  	v63 =	vld [tilespmem:s17+$0xFFFFFFC0];
	[tilespmem:s19+$0x210 ss:$0x21] =	vst.msk $0xffff, v5;
	s26 =	sadd.s32 $0xFFF0BE40, s24;
	s17 =	ssub.s32 $0xF4240, s24;
	s21 =	ssub.s32 s21, s22  }
0x51: {  	[tilespmem:s19+$0x420 ss:$0x21] =	vst.msk $0xffff, v58;
	s23 =	sshrl.u32 s31, $0xD;
	p1 =	sgt.s32 s26, $0x7F;
	s27 =	sadd.s32 $0xFFFFFFA0, s21  }
0x52: {  	[tilespmem:s19+$0x630 ss:$0x21] =	vst.msk $0xffff, v59;
	s23 =	smul.u32 $0xF4240, s23;
	s18 =	ssub.s32 $0x80, s21;
	p2 =	sgt.s32 s27, $0x1F  }
.Ltmp4:
0x53: {  	[tilespmem:s19+$0x840 ss:$0x21] =	vst.msk $0xffff, v60;
	s17 =	simm.s32 @p1 $0x0;
	s18 =	simm.s32 @p2 $0x0;
	(pc) =	sbr.rel .LBB1_5-.Ltmp4, $4  }
0x54: {  	s29 =	sand.u32 $0xF, s28;
	[tilespmem:s19+$0xA50 ss:$0x21] =	vst.msk $0xffff, v61;
	s20 =	ssub.s32 s20, s23;
	s17 =	smul.u32 s18, s17  }
0x55: {  	[tilespmem:s19+$0xC60 ss:$0x21] =	vst.msk $0xffff, v62;
	s21 =	sshll.u32 s30, $0x12;
	s20 =	sshll.u32 s20, $0x4;
	s18 =	sadd.s32 s5, s29  }
0x56: {  	[tilespmem:s19+$0x0 ss:$0x21] =	vst.msk $0xffff, v63;
	s31 =	sor.u32 $0x20, s21;
	s18 =	sadd.s32 s20, s18;
	s17 =	sand.u32 $0x3FFFFFFF, s17  }
0x57: {  	[hbm4b:s18+s31] =	stream.strided.scatter [tilespmem:s16], [sflag:$0x2], s17, s8, s31, $0x10;
	[tilespmem:$0x4100] =	vst v63  }
.LBB1_6:
0x58: {  	_ =	sfence.sel $0x180000  }
0x59: {  	s2 =	simm.s32 $0x1;
	[bflag:$0x0] =	sbarrier.arrive $0xFFFF  }
0x5a: {  	s31 =	simm.s32 $0x2;
	[sflag:s2] =	ssyncpa.u1 $0x1  }
0x5b: {  	[sflag:s31] =	ssyncpa.u1 $0x1  }
0x5c: {  	p0 =	sne.s32 s1, $0x0;
	_ =	strace $0x9000004A  }
0x5d: {  	s0 =	sadd.s32 @!p0 $0x100000, s0;
	[bflag:$0x2] =	sbarrier.arrive $0xFFFF  }
0x5e: {  	[sflag:s0] =	ssyncadd.tile.s32 @!p0 $0x1;
	_ =	shalt  }
.Lfunc_end1:
_tile_overlayer_lowered:
.L_overlay_start_2:
0x5f: {  	(tag) =	ssettag $0x2  }
0x60: {  	s0 =	rddreg [dreg:$0x0];
	s2 =	stileid.u32  }
0x61: {  	s1 =	rddreg [dreg:$0x1];
	p0 =	sne.s32 s2, $0x0  }
0x62: {  	s3 =	rddreg [dreg:$0x2];
	[bflag:$0x3] =	sbarrier.arrive $0xFFFF;
	s2 =	simm.s32 @!p0 $0x1C01  }
0x63: {  	[timem:s3], [sflag:s2] =	dma.local @!p0 [hbm:s0], s1  }
0x64: {  	s0 =	simm.s32 @!p0 $0x1  }
0x65: {  	_ =	swait.ge @!p0 [sflag:s0], s1  }
0x66: {  	s1 =	ssub.s32 @!p0 $0x0, s1;
	[sflag:s0] =	ssyncset.done @!p0 $0x0  }
0x67: {  	[sflag:s0] =	ssyncadd.s32 @!p0 s1  }
0x68: {  	[bflag:$0x3] =	sbarrier.arrive $0xFFFF  }
0x69: {  	_ =	shalt  }

// kernel: sparse-core-data-format-call.cloned.1.call-start
scs
called_computation_lowered:
.L_overlay_start_0:
0x0: {  	s2 =	sld [smem:$0x3FD9]  }
0x1: {  	s3 =	sld [smem:$0x3FFE];
	_ =	sdelay $0x1  }
0x2: {  	s1 =	srdreg.scid  }
0x3: {  	s0 =	sand.u32 $0x1, s1  }
0x4: {  	s18 =	sshll.u32 s0, $0xA;
	s2 =	sadd.s32 s3, s2  }
0x5: {  	s2 =	sadd.s32 s2, s18  }
0x6: {  	[smem:$0x3FA5] =	sst s2  }
0x7: {  	_ = 	snop  }
0x8: {  	s2 =	sld [smem:$0x3FB7];
	(tm) =	ssettm $0x1  }
0x9: {  	s19 =	sld [smem:$0x3FFB];
	_ =	sdelay $0x3  }
0xa: {  	_ =	strace s19  }
0xb: {  	s3 =	sld [smem:$0x3FFC];
	_ =	sdelay $0x3  }
0xc: {  	_ =	strace s3  }
0xd: {  	s3 =	sld [smem:$0x3FFD];
	_ =	sdelay $0x3  }
0xe: {  	_ =	strace s3  }
0xf: {  	_ =	strace $0x8FFFFFFF  }
0x10: {  	s20 =	sld [smem:$0x3FDB];
	_ =	sdelay $0x1  }
0x11: {  	s4 =	simm.s32 $_scs_section_size  }
0x12: {  	s5 =	simm.s32 $_size__tile_overlayer_lowered;
	s6 =	simm.s32 $_tile_overlayer_lowered  }
0x13: {  	s23 =	simm.s32 $0x1BFF;
	s22 =	sshll.u32 s6, $0x1;
	s3 =	sadd.s32 s4, s20  }
0x14: {  	s7 =	simm.s32 $0x0;
	s21 =	sshll.u32 s5, $0x1;
	s5 =	sadd.s32 s22, s3  }
0x15: {  	[timem:s7], [sflag:s23] =	dma.local [hbm:s5], s21  }
0x16: {  	_ =	swait.ge [sflag:s23], s21  }
0x17: {  	s4 =	ssub.s32 $0x0, s21;
	[sflag:s23] =	ssyncset.done $0x0  }
0x18: {  	[sflag:s23] =	ssyncadd.s32 s4;
	_ =	sdelay $0x1  }
0x19: {  	s24 =	simm.s32 $0x1B8B  }
0x1a: {  	_ =	swait.ge [sflag:s24], $0x1  }
0x1b: {  	[sflag:s24] =	ssyncset.done $0x0  }
0x1c: {  	s26 =	simm.s32 $0x1B8E;
	s25 =	sld [smem:$0x3FFE];
	[sflag:s24] =	ssyncadd.s32 $0xFFFFFFFF  }
0x1d: {  	s27 =	simm.s32 $execute0_lowered;
	[smem:$0x3FD2] =	sst s26  }
0x1e: {  	s5 =	sshll.u32 s27, $0x1;
	_ =	strace $0x80000046;
	[dreg:$0x1] =	wrdreg $0xFFFFFFFF  }
0x1f: {  	s28 =	simm.s32 $_size_execute0_lowered;
	s3 =	sadd.s32 s3, s5;
	[dreg:$0x0] =	wrdreg $0x0  }
0x20: {  	s5 =	sshll.u32 s28, $0x1;
	[dreg:$0x2] =	wrdreg s3  }
0x21: {  	[dreg:$0x3] =	wrdreg s5  }
0x22: {  	[dreg:$0x4] =	wrdreg $0xC0  }
0x23: {  	_ =	task [dreg:s7], $0x5FFFF  }
0x24: {  	[dreg:$0x1] =	wrdreg $0xFFFFFFFF  }
0x25: {  	[dreg:$0x0] =	wrdreg $0x60  }
0x26: {  	[dreg:$0x2] =	wrdreg s2  }
0x27: {  	[dreg:$0x3] =	wrdreg s25  }
0x28: {  	[dreg:$0x4] =	wrdreg $0x9  }
0x29: {  	_ =	task.clear_ibuf [dreg:s7], $0x5FFFF;
	_ =	strace $0x90000046  }
0x2a: {  	s29 =	simm.s32 $0x9;
	_ =	strace $0x80000048  }
0x2b: {  	_ =	swait.ge [sflag:s29], $0x1  }
0x2c: {  	[sflag:s29] =	ssyncadd.s32 $0xFFFFFFFF  }
0x2d: {  	_ =	strace $0x90000048  }
0x2e: {  	_ =	sfence  }
0x2f: {  	s30 =	sld [smem:$0x0];
	_ =	sdelay $0x2  }
0x30: {  	s31 =	sshll.u32 s1, $0xD;
	s1 =	sshrl.u32 s1, $0x2  }
0x31: {  	s3 =	sand.u32 $0x4000, s31;
	s1 =	sadd.s32 s1, s30  }
0x32: {  	s0 =	sor.u32 s3, s0;
	s1 =	sshll.u32 s1, $0x11  }
0x33: {  	s0 =	sor.u32 s1, s0  }
0x34: {  	s0 =	sadd.s32 $0x8F2B, s0  }
0x35: {  	[sflag:s0] =	ssyncadd.remote.s32 $0x1  }
0x36: {  	_ =	sfence.sel $0xFFFF  }
0x37: {  	[dreg:$0x0] =	wrdreg $0xFFFFFFFF;
	(pc) =	sbr.abs _section_cstart, $3  }
0x38: {  	[dreg:$0x1] =	wrdreg $0xFFFFFFFF  }
0x39: {  	_ =	task.clear_ibuf [dreg:s7], $0x2FFFF;
	_ =	strace $0x9FFFFFFF  }
0x3a: {  	(tm) =	ssettm $0x7FFFFFFF  }
0x3b: {  	_ =	shalt  }
tec
execute0_lowered:
.L_overlay_start_1:
0x0: {  	(tag) =	ssettag $0x1  }
0x1: {  	s0 =	srdreg.scid;
	s2 =	rddreg [dreg:$0x0]  }
0x2: {  	s5 =	rddreg [dreg:$0x1];
	s1 =	stileid.u32  }
0x3: {  	s4 =	simm.s32 $0x1;
	s6 =	simm.s32 $0x2;
	s15 =	simm.s32 $0x0  }
0x4: {  	p0 =	por $0x0, $0x0;
	s8 =	simm.s32 $0x80;
	s0 =	sshll.u32 s0, $0x4  }
0x5: {  	s14 =	simm.s32 $0x0;
	s9 =	simm.s32 $0x0;
	s3 =	sand.u32 $0x10, s0  }
.Ltmp0:
0x6: {  	s10 =	simm.s32 $0x0;
	s3 =	sor.u32 s1, s3;
	(pc) =	sbr.rel .LBB1_1-.Ltmp0, $4  }
0x7: {  	s0 =	rddreg [dreg:$0x2];
	_ =	strace $0x80000047;
	s3 =	sshll.u32 s3, $0x7  }
0x8: {  	s12 =	simm.s32 $0x0;
	[sflag:s4] =	ssyncpa.u1 $0x0;
	s7 =	ssub.s32 $0xF4200, s3  }
0x9: {  	s13 =	simm.s32 $0x0;
	[sflag:s6] =	ssyncpa.u1 $0x0;
	s6 =	sshrl.u32 s7, $0xC  }
0xa: {  	s5 =	sadd.s32 $0x6A00, s5;
	s11 =	smov.u32 s3;
	s7 =	sadd.s32 $0x2, s6  }
.LBB1_5:
0xb: {  	p1 =	slt.u32 s13, $0x2  }
0xc: {  	s17 =	smov.u32 s15;
	p2 =	sgt.s32 @!p1 s15, $0xF41C0;
	s16 =	sshra.s32 @!p1 s15, $0x1F  }
0xd: {  	p3 =	sgt.s32 @!p1 s14, $0x60;
	s18 =	sshra.s32 @!p1 s14, $0x1F;
	p2 =	por !p2, p1  }
0xe: {  	s15 =	sand.u32 @!p1 s16, s15;
	p3 =	por !p3, p1;
	s16 =	smov.u32 s14  }
0xf: {  	s14 =	sand.u32 @!p1 s18, s14;
	s17 =	simm.s32 @p2 $0xF41C0;
	s16 =	simm.s32 @p3 $0x60  }
0x10: {  	s15 =	ssub.s32 @!p1 s17, s15;
	s14 =	ssub.s32 @!p1 s16, s14  }
0x11: {  	s18 =	smov.u32 s12;
	s16 =	sadd.s32 @!p1 $0xFFF0BE40, s15;
	s17 =	sadd.s32 @!p1 $0xFFFFFFA0, s14  }
0x12: {  	s15 =	ssub.s32 @!p1 $0xF4240, s15;
	p2 =	sgt.s32 @!p1 s16, $0x7F;
	p3 =	sgt.s32 @!p1 s17, $0x1F  }
0x13: {  	s14 =	ssub.s32 @!p1 $0x80, s14;
	p2 =	por !p2, p1;
	p3 =	por !p3, p1  }
0x14: {  	s16 =	sadd.s32 $0x1000, s11;
	s15 =	simm.s32 @!p2 $0x0;
	s14 =	simm.s32 @!p3 $0x0  }
0x15: {  	p2 =	sgt.s32 s16, $0xF423F;
	s14 =	smul.u32 @!p1 s14, s15;
	s15 =	sadd.s32 $0x20, s12  }
0x16: {  	s18 =	smov.u32 @p2 s15  }
0x17: {  	s16 =	smov.u32 @p2 s3;
	p2 =	sgt.s32 s18, $0x1F  }
0x18: {  	s18 =	simm.s32 @p2 $0x0;
	p2 =	sne.s32 s13, s7  }
.Ltmp1:
0x19: {  	p0 =	por !p0, !p0;
	s17 =	simm.s32 @!p1 $0x2;
	(pc) =	sbr.rel @!p2 .LBB1_6-.Ltmp1, $4  }
0x1a: {  	s15 =	smov.u32 s9;
	s9 =	smov.u32 s11;
	s14 =	sand.u32 @!p1 $0x3FFFFFFF, s14  }
0x1b: {  	s11 =	smov.u32 s16;
	_ =	swait.ge @!p1 [sflag:s17], s14;
	s19 =	ssub.s32 @!p1 $0x0, s14  }
0x1c: {  	s14 =	smov.u32 s10;
	s13 =	sadd.s32 $0x1, s13;
	[sflag:s17] =	ssyncset.done @!p1 $0x0  }
0x1d: {  	s10 =	smov.u32 s12;
	s12 =	smov.u32 s18;
	[sflag:s17] =	ssyncadd.s32 @!p1 s19  }
.LBB1_1:
0x1e: {  	p1 =	sgt.u32 s13, s6  }
0x1f: {  	s16 =	sshrl.u32 @!p1 s12, $0x3  }
0x20: {  	s17 =	sshll.u32 @!p1 s11, $0x3;
	s16 =	smul.u32 @!p1 $0x7A1400, s16  }
0x21: {  	s18 =	sshll.u32 @!p1 s12, $0x7;
	s17 =	sand.u32 @!p1 $0xFFFFFC00, s17  }
0x22: {  	s16 =	sadd.s32 @!p1 s16, s17;
	s17 =	sand.u32 @!p1 $0x380, s18  }
0x23: {  	s18 =	sand.u32 @!p1 $0x7F, s11;
	s16 =	sor.u32 @!p1 s17, s16  }
0x24: {  	s17 =	sor.u32 @!p1 s18, s16  }
0x25: {  	s18 =	smulhi.u32 @!p1 $0x218D6287, s17;
	_ =	sdelay $0x1  }
0x26: {  	s16 =	smulhi.u32 @!p1 $0x218D6287, s16;
	s18 =	sshrl.u32 @!p1 s18, $0x11  }
0x27: {  	s18 =	smul.u32 @!p1 $0xF4280, s18  }
0x28: {  	s19 =	sxor.u32 @!p1 $0xFFFFFFFF, s13;
	s16 =	sshrl.u32 @!p1 s16, $0x11  }
0x29: {  	s19 =	sshll.u32 @!p1 s19, $0xC;
	s16 =	sand.u32 @!p1 $0x1F, s16;
	s17 =	ssub.s32 @!p1 s17, s18  }
0x2a: {  	s16 =	smul.u32 @!p1 $0x1E850, s16;
	s18 =	sshrl.u32 @!p1 s17, $0x3;
	s17 =	sand.u32 @!p1 $0x7, s17  }
0x2b: {  	s19 =	sand.u32 @!p1 $0x1000, s19;
	s18 =	sadd.s32 @!p1 s2, s18;
	s17 =	sshll.u32 @!p1 s17, $0x12  }
0x2c: {  	s16 =	sadd.s32 @!p1 s16, s18;
	s17 =	sor.u32 @!p1 $0x400, s17;
	s18 =	simm.s32 @!p1 $0x7A1400  }
0x2d: {  	[tilespmem:s19], [sflag:$0x1] =	stream.strided.gather @!p1 [hbm4b:s16+s17], $0x1000, s18, s17, $0x38;
	[tilespmem:$0x4100] =	vst v63  }
0x2e: {  	p1 =	seq.s32 s13, $0x0  }
0x2f: {  	p2 =	sge.u32 @!p1 s13, s7  }
0x30: {  	p1 =	por p1, p2  }
.Ltmp2:
0x31: {  	_ = 	snop;
	(pc) =	sbr.rel @p1 .LBB1_5-.Ltmp2, $1  }
0x32: {  	_ =	sdelay $0x3  }
0x33: {  	s16 =	simm.s32 $0x1  }
0x34: {  	_ =	swait.ge [sflag:s4], $0x1000;
	s16 =	simm.s32 @!p0 $0x0  }
0x35: {  	[sflag:s4] =	ssyncset.done $0x0;
	s17 =	sshll.u32 s16, $0xC  }
0x36: {  	[sflag:s4] =	ssyncadd.s32 $0xFFFFF000;
	s17 =	sor.u32 $0x40, s17  }
0x37: {  	s16 =	smul.u32 $0x4200, s16;
	v0 =	vld [tilespmem:s17+$0x30]  }
0x38: {  	v1 =	vld [tilespmem:s17+$0xFFFFFFD0]  }
0x39: {  	s16 =	sshrl.u32 s16, $0x2;
	v5 =	vld [tilespmem:s17+$0xFFFFFFE0]  }
0x3a: {  	v6 =	vld [tilespmem:s17+$0xFFFFFFF0];
	s19 =	sor.u32 $0x2000, s16  }
0x3b: {  	s31 =	sand.u32 $0x1, s13;
	v4 =	vld [tilespmem:s17+$0x0];
	s18 =	sadd.s32 $0x0, s19  }
0x3c: {  	v3 =	vld [tilespmem:s17+$0x10];
	s16 =	smul.u32 $0x4200, s31;
	[tilespmem:s18+$0xE70 ss:$0x21] =	vst.msk $0xffff, v0  }
0x3d: {  	v2 =	vld [tilespmem:s17+$0x20];
	[tilespmem:s18+$0x210 ss:$0x21] =	vst.msk $0xffff, v1  }
0x3e: {  	s16 =	sshrl.u32 s16, $0x2;
	v1 =	vld [tilespmem:s17+$0xFFFFFFC0];
	[tilespmem:s18+$0x420 ss:$0x21] =	vst.msk $0xffff, v5;
	s17 =	sadd.s32 $0x80, s17  }
0x3f: {  	s20 =	simm.s32 $0x4;
	s21 =	simm.s32 $0x8;
	s16 =	sor.u32 $0x2000, s16;
	[tilespmem:s18+$0x630 ss:$0x21] =	vst.msk $0xffff, v6;
	v0 =	vld [tilespmem:s17+$0x30]  }
.LBB1_3:
0x40: {  	p1 =	sne.s32 s21, $0x7C;
	v5 =	vld [tilespmem:s17+$0xFFFFFFD0];
	[tilespmem:s18+$0x840 ss:$0x21] =	vst.msk $0xffff, v4  }
0x41: {  	v6 =	vld [tilespmem:s17+$0xFFFFFFE0];
	[tilespmem:s18+$0xA50 ss:$0x21] =	vst.msk $0xffff, v3  }
0x42: {  	s22 =	sshra.s32 s20, $0x2;
	s20 =	smov.u32 s21;
	v7 =	vld [tilespmem:s17+$0xFFFFFFF0];
	[tilespmem:s18+$0xC60 ss:$0x21] =	vst.msk $0xffff, v2  }
.Ltmp3:
0x43: {  	v4 =	vld [tilespmem:s17+$0x0];
	[tilespmem:s18+$0x0 ss:$0x21] =	vst.msk $0xffff, v1;
	s18 =	sadd.s32 s22, s19;
	(pc) =	sbr.rel @p1 .LBB1_3-.Ltmp3, $4  }
0x44: {  	v3 =	vld [tilespmem:s17+$0x10];
	[tilespmem:s18+$0xE70 ss:$0x21] =	vst.msk $0xffff, v0  }
0x45: {  	[tilespmem:s18+$0x210 ss:$0x21] =	vst.msk $0xffff, v5;
	v2 =	vld [tilespmem:s17+$0x20]  }
0x46: {  	v1 =	vld [tilespmem:s17+$0xFFFFFFC0];
	[tilespmem:s18+$0x420 ss:$0x21] =	vst.msk $0xffff, v6;
	s17 =	sadd.s32 $0x80, s17  }
0x47: {  	s21 =	sadd.s32 $0x4, s21;
	v0 =	vld [tilespmem:s17+$0x30];
	[tilespmem:s18+$0x630 ss:$0x21] =	vst.msk $0xffff, v7  }
0x48: {  	s21 =	sshll.u32 s9, $0x7;
	s22 =	sshll.u32 s10, $0x3;
	s20 =	sshra.s32 s20, $0x2  }
0x49: {  	p1 =	sgt.s32 s9, $0xF41C0;
	s30 =	sshra.s32 s9, $0x1F;
	s25 =	sshra.s32 s10, $0x1F  }
0x4a: {  	v5 =	vld [tilespmem:s17+$0xFFFFFFD0];
	s28 =	sshrl.u32 s10, $0x3;
	s23 =	sand.u32 $0xFFFFFC00, s21;
	s22 =	sand.u32 $0xFFFFFC00, s22  }
0x4b: {  	[tilespmem:s18+$0x840 ss:$0x21] =	vst.msk $0xffff, v4;
	v58 =	vld [tilespmem:s17+$0xFFFFFFE0];
	s21 =	sand.u32 $0x380, s21;
	s19 =	sadd.s32 s20, s19;
	s22 =	sadd.s32 s22, s23  }
0x4c: {  	v59 =	vld [tilespmem:s17+$0xFFFFFFF0];
	[tilespmem:s18+$0xA50 ss:$0x21] =	vst.msk $0xffff, v3;
	s29 =	sor.u32 s21, s22;
	s21 =	smov.u32 s9;
	s22 =	sand.u32 s30, s9  }
0x4d: {  	v60 =	vld [tilespmem:s17+$0x0];
	[tilespmem:s18+$0xC60 ss:$0x21] =	vst.msk $0xffff, v2;
	s30 =	sand.u32 $0x7, s10;
	s20 =	sshrl.u32 s29, $0x7;
	s21 =	simm.s32 @!p1 $0xF41C0  }
0x4e: {  	v61 =	vld [tilespmem:s17+$0x10];
	[tilespmem:s18+$0x0 ss:$0x21] =	vst.msk $0xffff, v1;
	p1 =	sgt.s32 s10, $0x60;
	s24 =	ssub.s32 s21, s22;
	s21 =	smov.u32 s10  }
0x4f: {  	v62 =	vld [tilespmem:s17+$0x20];
	[tilespmem:s19+$0xE70 ss:$0x21] =	vst.msk $0xffff, v0;
	s31 =	smulhi.u32 $0x218DEF5, s20;
	s22 =	sand.u32 s25, s10;
	s21 =	simm.s32 @!p1 $0x60  }
0x50: {  	v63 =	vld [tilespmem:s17+$0xFFFFFFC0];
	[tilespmem:s19+$0x210 ss:$0x21] =	vst.msk $0xffff, v5;
	s26 =	sadd.s32 $0xFFF0BE40, s24;
	s17 =	ssub.s32 $0xF4240, s24;
	s21 =	ssub.s32 s21, s22  }
0x51: {  	[tilespmem:s19+$0x420 ss:$0x21] =	vst.msk $0xffff, v58;
	s23 =	sshrl.u32 s31, $0xD;
	p1 =	sgt.s32 s26, $0x7F;
	s27 =	sadd.s32 $0xFFFFFFA0, s21  }
0x52: {  	[tilespmem:s19+$0x630 ss:$0x21] =	vst.msk $0xffff, v59;
	s23 =	smul.u32 $0xF4240, s23;
	s18 =	ssub.s32 $0x80, s21;
	p2 =	sgt.s32 s27, $0x1F  }
.Ltmp4:
0x53: {  	[tilespmem:s19+$0x840 ss:$0x21] =	vst.msk $0xffff, v60;
	s17 =	simm.s32 @p1 $0x0;
	s18 =	simm.s32 @p2 $0x0;
	(pc) =	sbr.rel .LBB1_5-.Ltmp4, $4  }
0x54: {  	s29 =	sand.u32 $0xF, s28;
	[tilespmem:s19+$0xA50 ss:$0x21] =	vst.msk $0xffff, v61;
	s20 =	ssub.s32 s20, s23;
	s17 =	smul.u32 s18, s17  }
0x55: {  	[tilespmem:s19+$0xC60 ss:$0x21] =	vst.msk $0xffff, v62;
	s21 =	sshll.u32 s30, $0x12;
	s20 =	sshll.u32 s20, $0x4;
	s18 =	sadd.s32 s5, s29  }
0x56: {  	[tilespmem:s19+$0x0 ss:$0x21] =	vst.msk $0xffff, v63;
	s31 =	sor.u32 $0x20, s21;
	s18 =	sadd.s32 s20, s18;
	s17 =	sand.u32 $0x3FFFFFFF, s17  }
0x57: {  	[hbm4b:s18+s31] =	stream.strided.scatter [tilespmem:s16], [sflag:$0x2], s17, s8, s31, $0x10;
	[tilespmem:$0x4100] =	vst v63  }
.LBB1_6:
0x58: {  	_ =	sfence.sel $0x180000  }
0x59: {  	s2 =	simm.s32 $0x1;
	[bflag:$0x0] =	sbarrier.arrive $0xFFFF  }
0x5a: {  	s31 =	simm.s32 $0x2;
	[sflag:s2] =	ssyncpa.u1 $0x1  }
0x5b: {  	[sflag:s31] =	ssyncpa.u1 $0x1  }
0x5c: {  	p0 =	sne.s32 s1, $0x0;
	_ =	strace $0x90000047  }
0x5d: {  	s0 =	sadd.s32 @!p0 $0x100000, s0;
	[bflag:$0x2] =	sbarrier.arrive $0xFFFF  }
0x5e: {  	[sflag:s0] =	ssyncadd.tile.s32 @!p0 $0x1;
	_ =	shalt  }
.Lfunc_end1:
_tile_overlayer_lowered:
.L_overlay_start_2:
0x5f: {  	(tag) =	ssettag $0x2  }
0x60: {  	s0 =	rddreg [dreg:$0x0];
	s2 =	stileid.u32  }
0x61: {  	s1 =	rddreg [dreg:$0x1];
	p0 =	sne.s32 s2, $0x0  }
0x62: {  	s3 =	rddreg [dreg:$0x2];
	[bflag:$0x3] =	sbarrier.arrive $0xFFFF;
	s2 =	simm.s32 @!p0 $0x1C01  }
0x63: {  	[timem:s3], [sflag:s2] =	dma.local @!p0 [hbm:s0], s1  }
0x64: {  	s0 =	simm.s32 @!p0 $0x1  }
0x65: {  	_ =	swait.ge @!p0 [sflag:s0], s1  }
0x66: {  	s1 =	ssub.s32 @!p0 $0x0, s1;
	[sflag:s0] =	ssyncset.done @!p0 $0x0  }
0x67: {  	[sflag:s0] =	ssyncadd.s32 @!p0 s1  }
0x68: {  	[bflag:$0x3] =	sbarrier.arrive $0xFFFF  }
0x69: {  	_ =	shalt  }

</sc_bundles>
